<compile_context>
chip_gen: v7x
topology: tpu7x:2x2x1
jax: 0.10.2.dev20260603
libtpu: 0.0.44.dev20260713+nightly
codegen_flags: <defaults>
</compile_context>

<pallas_src>
import functools

import jax
import jax.numpy as jnp
from jax import lax
from jax.experimental import pallas as pl
from jax.experimental.pallas import tpu as pltpu
from jax.experimental.pallas import tpu_sc as plsc

EMB_DIM = 1024
SEQ_LEN = 8192

_NC = 2
_NS = 16
_NW = _NC * _NS
_B_PER_W = SEQ_LEN // _NW
_CHUNK = 16
_N_CHUNKS = _B_PER_W // _CHUNK
_NBUF = 6


def _sc_gather(table, idx):
    mesh = plsc.VectorSubcoreMesh(core_axis_name="c", subcore_axis_name="s")

    @functools.partial(
        pl.kernel,
        mesh=mesh,
        out_type=jax.ShapeDtypeStruct((SEQ_LEN, EMB_DIM), jnp.float32),
        scratch_types=[
            pltpu.VMEM((_N_CHUNKS, _CHUNK), jnp.int32),
            *[pltpu.VMEM((_CHUNK, EMB_DIM), jnp.float32) for _ in range(_NBUF)],
            *[pltpu.SemaphoreType.DMA for _ in range(2 * _NBUF)],
        ],
    )
    def k(table_hbm, idx_hbm, out_hbm, idx_v, *scratch):
        bufs = scratch[:_NBUF]
        gsems = scratch[_NBUF:2 * _NBUF]
        ssems = scratch[2 * _NBUF:]
        wid = lax.axis_index("s") * _NC + lax.axis_index("c")
        base = wid * _B_PER_W
        pltpu.sync_copy(idx_hbm.at[wid], idx_v)

        def start_gather(g):
            return pltpu.async_copy(
                table_hbm.at[idx_v.at[g]], bufs[g % _NBUF], gsems[g % _NBUF])

        def start_scatter(j):
            return pltpu.async_copy(
                bufs[j % _NBUF],
                out_hbm.at[pl.ds(base + j * _CHUNK, _CHUNK)],
                ssems[j % _NBUF])

        gh, sh = {}, {}
        for g in range(min(_NBUF - 1, _N_CHUNKS)):
            gh[g] = start_gather(g)
        for j in range(_N_CHUNKS):
            gh[j].wait()
            sh[j] = start_scatter(j)
            g = j + _NBUF - 1
            if g < _N_CHUNKS:
                if g - _NBUF >= 0:
                    sh[g - _NBUF].wait()
                gh[g] = start_gather(g)
        for j in range(max(0, _N_CHUNKS - _NBUF), _N_CHUNKS):
            sh[j].wait()

    return k(table, idx)


def kernel(seq_len, pos_emb):
    positions = jnp.arange(0, SEQ_LEN, dtype=jnp.int32)
    positions = jnp.minimum(positions, jnp.asarray(seq_len, dtype=jnp.int32) - 1)
    idx = positions.reshape(_NW, _N_CHUNKS, _CHUNK)
    return _sc_gather(pos_emb, idx)

# --- scband reference (transcript-rebuilt; emitter-appended) ---
"""Pipeline reference for scband-positional-encoding-learned-50869592655056 (READ-ONLY COPY).

The authoritative reference and input builder live on the scoring server;
editing this copy changes nothing except your own understanding.
"""

import jax, jax.numpy as jnp
import numpy as np

EMB_DIM = 1024
MAX_LEN = 8192
SEQ_LEN = 8192

def setup_inputs(seed: int = 0) -> dict:
    key = jax.random.key(seed)
    pos_emb = jax.random.normal(key, (MAX_LEN, EMB_DIM), dtype=jnp.float32) * 0.02
    return {"seq_len": SEQ_LEN, "pos_emb": pos_emb}

def reference(seq_len, pos_emb):
    # Faithful translation: positions = arange(seq_len); lookup rows of the embedding table.
    if SEQ_LEN > MAX_LEN:
        raise ValueError(f"seq_len {SEQ_LEN} > max_len {MAX_LEN}")
    positions = jnp.arange(0, SEQ_LEN, dtype=jnp.int32)
    positions = jnp.minimum(positions, jnp.asarray(seq_len, dtype=jnp.int32) - 1)
    return jnp.take(pos_emb, positions, axis=0)

if __name__ == "__main__":
    import jax
    _d = setup_inputs()
    print(jax.jit(kernel)(*tuple(_d.values())))

</pallas_src>

<mosaic_0001>
#map = affine_map<(d0, d1) -> (0, 0)>
#map1 = affine_map<(d0, d1) -> (0, 0, 0)>
module attributes {stable_mosaic.version = 14 : i64} {
  func.func @k(%arg0: i32, %arg1: i32, %arg2: memref<8192x1024xf32, #tpu.memory_space<hbm>>, %arg3: memref<32x16x16xi32, #tpu.memory_space<hbm>>, %arg4: memref<8192x1024xf32, #tpu.memory_space<hbm>>, %arg5: memref<16x16xi32, #tpu.memory_space<vmem>>, %arg6: memref<16x1024xf32, #tpu.memory_space<vmem>>, %arg7: memref<16x1024xf32, #tpu.memory_space<vmem>>, %arg8: memref<16x1024xf32, #tpu.memory_space<vmem>>, %arg9: memref<16x1024xf32, #tpu.memory_space<vmem>>, %arg10: memref<16x1024xf32, #tpu.memory_space<vmem>>, %arg11: memref<16x1024xf32, #tpu.memory_space<vmem>>, %arg12: memref<!tpu.dma_semaphore, #tpu.memory_space<semaphore_mem>>, %arg13: memref<!tpu.dma_semaphore, #tpu.memory_space<semaphore_mem>>, %arg14: memref<!tpu.dma_semaphore, #tpu.memory_space<semaphore_mem>>, %arg15: memref<!tpu.dma_semaphore, #tpu.memory_space<semaphore_mem>>, %arg16: memref<!tpu.dma_semaphore, #tpu.memory_space<semaphore_mem>>, %arg17: memref<!tpu.dma_semaphore, #tpu.memory_space<semaphore_mem>>, %arg18: memref<!tpu.dma_semaphore, #tpu.memory_space<semaphore_mem>>, %arg19: memref<!tpu.dma_semaphore, #tpu.memory_space<semaphore_mem>>, %arg20: memref<!tpu.dma_semaphore, #tpu.memory_space<semaphore_mem>>, %arg21: memref<!tpu.dma_semaphore, #tpu.memory_space<semaphore_mem>>, %arg22: memref<!tpu.dma_semaphore, #tpu.memory_space<semaphore_mem>>, %arg23: memref<!tpu.dma_semaphore, #tpu.memory_space<semaphore_mem>>) attributes {dimension_semantics = [#tpu.dimension_semantics<core_parallel>, #tpu.dimension_semantics<subcore_parallel>], iteration_bounds = array<i64: 2, 16>, scalar_prefetch = 0 : i64, scratch_operands = 19 : i64, tpu.core_type = #tpu.core_type<sc_vector_subcore>, window_params = [{transform_indices = #map}, {transform_indices = #map1}, {transform_indices = #map}]} {
    %mul3A = arith.constant 2 : i32
    %mul3A_0 = arith.muli %arg1, %mul3A : i32
    %add3A = arith.addi %mul3A_0, %arg0 : i32
    %mul3A_1 = arith.constant 256 : i32
    %mul3A_2 = arith.muli %add3A, %mul3A_1 : i32
    "tpu.region"() ({
      %run_scoped3A = tpu.sem_alloc : memref<!tpu.dma_semaphore, #tpu.memory_space<semaphore_mem>>
      %dma_start3A_385 = arith.constant 0 : i32
      %dma_start3A_386 = arith.constant 0 : i32
      %dma_start3A_387 = tpu.memref_slice %arg3[%add3A, %dma_start3A_385, %dma_start3A_386] : memref<32x16x16xi32, #tpu.memory_space<hbm>> -> memref<1x16x16xi32, #tpu.memory_space<hbm>>
      %dma_start3A_388 = tpu.memref_squeeze %dma_start3A_387 : memref<1x16x16xi32, #tpu.memory_space<hbm>> -> memref<16x16xi32, #tpu.memory_space<hbm>>
      %dma_start3A_389 = arith.constant 0 : i32
      %dma_start3A_390 = arith.constant 0 : i32
      %dma_start3A_391 = tpu.memref_slice %arg3[%add3A, %dma_start3A_389, %dma_start3A_390] : memref<32x16x16xi32, #tpu.memory_space<hbm>> -> memref<1x16x16xi32, #tpu.memory_space<hbm>>
      %dma_start3A_392 = tpu.memref_squeeze %dma_start3A_391 : memref<1x16x16xi32, #tpu.memory_space<hbm>> -> memref<16x16xi32, #tpu.memory_space<hbm>>
      tpu.enqueue_dma source(%dma_start3A_392 : memref<16x16xi32, #tpu.memory_space<hbm>>) target(%arg5 : memref<16x16xi32, #tpu.memory_space<vmem>>) target_semaphore(%run_scoped3A : memref<!tpu.dma_semaphore, #tpu.memory_space<semaphore_mem>>)
      %dma_wait3A_393 = arith.constant 0 : i32
      %dma_wait3A_394 = arith.constant 0 : i32
      %dma_wait3A_395 = tpu.memref_slice %arg3[%add3A, %dma_wait3A_393, %dma_wait3A_394] : memref<32x16x16xi32, #tpu.memory_space<hbm>> -> memref<1x16x16xi32, #tpu.memory_space<hbm>>
      %dma_wait3A_396 = tpu.memref_squeeze %dma_wait3A_395 : memref<1x16x16xi32, #tpu.memory_space<hbm>> -> memref<16x16xi32, #tpu.memory_space<hbm>>
      %dma_wait3A_397 = arith.constant 0 : i32
      %dma_wait3A_398 = arith.constant 0 : i32
      %dma_wait3A_399 = tpu.memref_slice %arg3[%add3A, %dma_wait3A_397, %dma_wait3A_398] : memref<32x16x16xi32, #tpu.memory_space<hbm>> -> memref<1x16x16xi32, #tpu.memory_space<hbm>>
      %dma_wait3A_400 = tpu.memref_squeeze %dma_wait3A_399 : memref<1x16x16xi32, #tpu.memory_space<hbm>> -> memref<16x16xi32, #tpu.memory_space<hbm>>
      tpu.wait_dma2 semaphore(%run_scoped3A : memref<!tpu.dma_semaphore, #tpu.memory_space<semaphore_mem>>) src(%dma_wait3A_400 : memref<16x16xi32, #tpu.memory_space<hbm>>) dst(%arg5 : memref<16x16xi32, #tpu.memory_space<vmem>>)
      tpu.yield
    }) : () -> ()
    %dma_start3A = arith.constant 0 : i32
    %dma_start3A_3 = arith.constant 0 : i32
    %dma_start3A_4 = tpu.memref_slice %arg5[%dma_start3A, %dma_start3A_3] : memref<16x16xi32, #tpu.memory_space<vmem>> -> memref<1x16xi32, #tpu.memory_space<vmem>>
    %dma_start3A_5 = tpu.memref_squeeze %dma_start3A_4 : memref<1x16xi32, #tpu.memory_space<vmem>> -> memref<16xi32, #tpu.memory_space<vmem>>
    %dma_start3A_6 = arith.constant 0 : i32
    %dma_start3A_7 = arith.constant 0 : i32
    %dma_start3A_8 = tpu.memref_slice %arg2[%dma_start3A_6, %dma_start3A_7] : memref<8192x1024xf32, #tpu.memory_space<hbm>> -> memref<8192x1024xf32, #tpu.memory_space<hbm>>
    tpu.enqueue_indirect_dma source(%dma_start3A_8 : memref<8192x1024xf32, #tpu.memory_space<hbm>>) target(%arg6 : memref<16x1024xf32, #tpu.memory_space<vmem>>) offsets(%dma_start3A_5 : memref<16xi32, #tpu.memory_space<vmem>>) semaphore(%arg12 : memref<!tpu.dma_semaphore, #tpu.memory_space<semaphore_mem>>)
    %dma_start3A_9 = arith.constant 1 : i32
    %dma_start3A_10 = arith.constant 0 : i32
    %dma_start3A_11 = tpu.memref_slice %arg5[%dma_start3A_9, %dma_start3A_10] : memref<16x16xi32, #tpu.memory_space<vmem>> -> memref<1x16xi32, #tpu.memory_space<vmem>>
    %dma_start3A_12 = tpu.memref_squeeze %dma_start3A_11 : memref<1x16xi32, #tpu.memory_space<vmem>> -> memref<16xi32, #tpu.memory_space<vmem>>
    %dma_start3A_13 = arith.constant 0 : i32
    %dma_start3A_14 = arith.constant 0 : i32
    %dma_start3A_15 = tpu.memref_slice %arg2[%dma_start3A_13, %dma_start3A_14] : memref<8192x1024xf32, #tpu.memory_space<hbm>> -> memref<8192x1024xf32, #tpu.memory_space<hbm>>
    tpu.enqueue_indirect_dma source(%dma_start3A_15 : memref<8192x1024xf32, #tpu.memory_space<hbm>>) target(%arg7 : memref<16x1024xf32, #tpu.memory_space<vmem>>) offsets(%dma_start3A_12 : memref<16xi32, #tpu.memory_space<vmem>>) semaphore(%arg13 : memref<!tpu.dma_semaphore, #tpu.memory_space<semaphore_mem>>)
    %dma_start3A_16 = arith.constant 2 : i32
    %dma_start3A_17 = arith.constant 0 : i32
    %dma_start3A_18 = tpu.memref_slice %arg5[%dma_start3A_16, %dma_start3A_17] : memref<16x16xi32, #tpu.memory_space<vmem>> -> memref<1x16xi32, #tpu.memory_space<vmem>>
    %dma_start3A_19 = tpu.memref_squeeze %dma_start3A_18 : memref<1x16xi32, #tpu.memory_space<vmem>> -> memref<16xi32, #tpu.memory_space<vmem>>
    %dma_start3A_20 = arith.constant 0 : i32
    %dma_start3A_21 = arith.constant 0 : i32
    %dma_start3A_22 = tpu.memref_slice %arg2[%dma_start3A_20, %dma_start3A_21] : memref<8192x1024xf32, #tpu.memory_space<hbm>> -> memref<8192x1024xf32, #tpu.memory_space<hbm>>
    tpu.enqueue_indirect_dma source(%dma_start3A_22 : memref<8192x1024xf32, #tpu.memory_space<hbm>>) target(%arg8 : memref<16x1024xf32, #tpu.memory_space<vmem>>) offsets(%dma_start3A_19 : memref<16xi32, #tpu.memory_space<vmem>>) semaphore(%arg14 : memref<!tpu.dma_semaphore, #tpu.memory_space<semaphore_mem>>)
    %dma_start3A_23 = arith.constant 3 : i32
    %dma_start3A_24 = arith.constant 0 : i32
    %dma_start3A_25 = tpu.memref_slice %arg5[%dma_start3A_23, %dma_start3A_24] : memref<16x16xi32, #tpu.memory_space<vmem>> -> memref<1x16xi32, #tpu.memory_space<vmem>>
    %dma_start3A_26 = tpu.memref_squeeze %dma_start3A_25 : memref<1x16xi32, #tpu.memory_space<vmem>> -> memref<16xi32, #tpu.memory_space<vmem>>
    %dma_start3A_27 = arith.constant 0 : i32
    %dma_start3A_28 = arith.constant 0 : i32
    %dma_start3A_29 = tpu.memref_slice %arg2[%dma_start3A_27, %dma_start3A_28] : memref<8192x1024xf32, #tpu.memory_space<hbm>> -> memref<8192x1024xf32, #tpu.memory_space<hbm>>
    tpu.enqueue_indirect_dma source(%dma_start3A_29 : memref<8192x1024xf32, #tpu.memory_space<hbm>>) target(%arg9 : memref<16x1024xf32, #tpu.memory_space<vmem>>) offsets(%dma_start3A_26 : memref<16xi32, #tpu.memory_space<vmem>>) semaphore(%arg15 : memref<!tpu.dma_semaphore, #tpu.memory_space<semaphore_mem>>)
    %dma_start3A_30 = arith.constant 4 : i32
    %dma_start3A_31 = arith.constant 0 : i32
    %dma_start3A_32 = tpu.memref_slice %arg5[%dma_start3A_30, %dma_start3A_31] : memref<16x16xi32, #tpu.memory_space<vmem>> -> memref<1x16xi32, #tpu.memory_space<vmem>>
    %dma_start3A_33 = tpu.memref_squeeze %dma_start3A_32 : memref<1x16xi32, #tpu.memory_space<vmem>> -> memref<16xi32, #tpu.memory_space<vmem>>
    %dma_start3A_34 = arith.constant 0 : i32
    %dma_start3A_35 = arith.constant 0 : i32
    %dma_start3A_36 = tpu.memref_slice %arg2[%dma_start3A_34, %dma_start3A_35] : memref<8192x1024xf32, #tpu.memory_space<hbm>> -> memref<8192x1024xf32, #tpu.memory_space<hbm>>
    tpu.enqueue_indirect_dma source(%dma_start3A_36 : memref<8192x1024xf32, #tpu.memory_space<hbm>>) target(%arg10 : memref<16x1024xf32, #tpu.memory_space<vmem>>) offsets(%dma_start3A_33 : memref<16xi32, #tpu.memory_space<vmem>>) semaphore(%arg16 : memref<!tpu.dma_semaphore, #tpu.memory_space<semaphore_mem>>)
    %dma_wait3A = arith.constant 0 : i32
    %dma_wait3A_37 = arith.constant 0 : i32
    %dma_wait3A_38 = tpu.memref_slice %arg5[%dma_wait3A, %dma_wait3A_37] : memref<16x16xi32, #tpu.memory_space<vmem>> -> memref<1x16xi32, #tpu.memory_space<vmem>>
    %dma_wait3A_39 = tpu.memref_squeeze %dma_wait3A_38 : memref<1x16xi32, #tpu.memory_space<vmem>> -> memref<16xi32, #tpu.memory_space<vmem>>
    %dma_wait3A_40 = arith.constant 0 : i32
    %dma_wait3A_41 = arith.constant 0 : i32
    %dma_wait3A_42 = tpu.memref_slice %arg2[%dma_wait3A_40, %dma_wait3A_41] : memref<8192x1024xf32, #tpu.memory_space<hbm>> -> memref<8192x1024xf32, #tpu.memory_space<hbm>>
    tpu.wait_indirect_dma semaphore(%arg12 : memref<!tpu.dma_semaphore, #tpu.memory_space<semaphore_mem>>) src(%dma_wait3A_42 : memref<8192x1024xf32, #tpu.memory_space<hbm>>) dst(%arg6 : memref<16x1024xf32, #tpu.memory_space<vmem>>)
    %add3A_43 = arith.constant 0 : i32
    %add3A_44 = arith.addi %mul3A_2, %add3A_43 : i32
    %dma_start3A_45 = arith.constant 0 : i32
    %dma_start3A_46 = tpu.memref_slice %arg4[%add3A_44, %dma_start3A_45] : memref<8192x1024xf32, #tpu.memory_space<hbm>> -> memref<16x1024xf32, #tpu.memory_space<hbm>>
    %dma_start3A_47 = arith.constant 0 : i32
    %dma_start3A_48 = tpu.memref_slice %arg4[%add3A_44, %dma_start3A_47] : memref<8192x1024xf32, #tpu.memory_space<hbm>> -> memref<16x1024xf32, #tpu.memory_space<hbm>>
    tpu.enqueue_dma source(%arg6 : memref<16x1024xf32, #tpu.memory_space<vmem>>) target(%dma_start3A_48 : memref<16x1024xf32, #tpu.memory_space<hbm>>) target_semaphore(%arg18 : memref<!tpu.dma_semaphore, #tpu.memory_space<semaphore_mem>>)
    %dma_start3A_49 = arith.constant 5 : i32
    %dma_start3A_50 = arith.constant 0 : i32
    %dma_start3A_51 = tpu.memref_slice %arg5[%dma_start3A_49, %dma_start3A_50] : memref<16x16xi32, #tpu.memory_space<vmem>> -> memref<1x16xi32, #tpu.memory_space<vmem>>
    %dma_start3A_52 = tpu.memref_squeeze %dma_start3A_51 : memref<1x16xi32, #tpu.memory_space<vmem>> -> memref<16xi32, #tpu.memory_space<vmem>>
    %dma_start3A_53 = arith.constant 0 : i32
    %dma_start3A_54 = arith.constant 0 : i32
    %dma_start3A_55 = tpu.memref_slice %arg2[%dma_start3A_53, %dma_start3A_54] : memref<8192x1024xf32, #tpu.memory_space<hbm>> -> memref<8192x1024xf32, #tpu.memory_space<hbm>>
    tpu.enqueue_indirect_dma source(%dma_start3A_55 : memref<8192x1024xf32, #tpu.memory_space<hbm>>) target(%arg11 : memref<16x1024xf32, #tpu.memory_space<vmem>>) offsets(%dma_start3A_52 : memref<16xi32, #tpu.memory_space<vmem>>) semaphore(%arg17 : memref<!tpu.dma_semaphore, #tpu.memory_space<semaphore_mem>>)
    %dma_wait3A_56 = arith.constant 1 : i32
    %dma_wait3A_57 = arith.constant 0 : i32
    %dma_wait3A_58 = tpu.memref_slice %arg5[%dma_wait3A_56, %dma_wait3A_57] : memref<16x16xi32, #tpu.memory_space<vmem>> -> memref<1x16xi32, #tpu.memory_space<vmem>>
    %dma_wait3A_59 = tpu.memref_squeeze %dma_wait3A_58 : memref<1x16xi32, #tpu.memory_space<vmem>> -> memref<16xi32, #tpu.memory_space<vmem>>
    %dma_wait3A_60 = arith.constant 0 : i32
    %dma_wait3A_61 = arith.constant 0 : i32
    %dma_wait3A_62 = tpu.memref_slice %arg2[%dma_wait3A_60, %dma_wait3A_61] : memref<8192x1024xf32, #tpu.memory_space<hbm>> -> memref<8192x1024xf32, #tpu.memory_space<hbm>>
    tpu.wait_indirect_dma semaphore(%arg13 : memref<!tpu.dma_semaphore, #tpu.memory_space<semaphore_mem>>) src(%dma_wait3A_62 : memref<8192x1024xf32, #tpu.memory_space<hbm>>) dst(%arg7 : memref<16x1024xf32, #tpu.memory_space<vmem>>)
    %add3A_63 = arith.constant 16 : i32
    %add3A_64 = arith.addi %mul3A_2, %add3A_63 : i32
    %dma_start3A_65 = arith.constant 0 : i32
    %dma_start3A_66 = tpu.memref_slice %arg4[%add3A_64, %dma_start3A_65] : memref<8192x1024xf32, #tpu.memory_space<hbm>> -> memref<16x1024xf32, #tpu.memory_space<hbm>>
    %dma_start3A_67 = arith.constant 0 : i32
    %dma_start3A_68 = tpu.memref_slice %arg4[%add3A_64, %dma_start3A_67] : memref<8192x1024xf32, #tpu.memory_space<hbm>> -> memref<16x1024xf32, #tpu.memory_space<hbm>>
    tpu.enqueue_dma source(%arg7 : memref<16x1024xf32, #tpu.memory_space<vmem>>) target(%dma_start3A_68 : memref<16x1024xf32, #tpu.memory_space<hbm>>) target_semaphore(%arg19 : memref<!tpu.dma_semaphore, #tpu.memory_space<semaphore_mem>>)
    %dma_wait3A_69 = arith.constant 0 : i32
    %dma_wait3A_70 = tpu.memref_slice %arg4[%add3A_44, %dma_wait3A_69] : memref<8192x1024xf32, #tpu.memory_space<hbm>> -> memref<16x1024xf32, #tpu.memory_space<hbm>>
    %dma_wait3A_71 = arith.constant 0 : i32
    %dma_wait3A_72 = tpu.memref_slice %arg4[%add3A_44, %dma_wait3A_71] : memref<8192x1024xf32, #tpu.memory_space<hbm>> -> memref<16x1024xf32, #tpu.memory_space<hbm>>
    tpu.wait_dma2 semaphore(%arg18 : memref<!tpu.dma_semaphore, #tpu.memory_space<semaphore_mem>>) src(%arg6 : memref<16x1024xf32, #tpu.memory_space<vmem>>) dst(%dma_wait3A_72 : memref<16x1024xf32, #tpu.memory_space<hbm>>)
    %dma_start3A_73 = arith.constant 6 : i32
    %dma_start3A_74 = arith.constant 0 : i32
    %dma_start3A_75 = tpu.memref_slice %arg5[%dma_start3A_73, %dma_start3A_74] : memref<16x16xi32, #tpu.memory_space<vmem>> -> memref<1x16xi32, #tpu.memory_space<vmem>>
    %dma_start3A_76 = tpu.memref_squeeze %dma_start3A_75 : memref<1x16xi32, #tpu.memory_space<vmem>> -> memref<16xi32, #tpu.memory_space<vmem>>
    %dma_start3A_77 = arith.constant 0 : i32
    %dma_start3A_78 = arith.constant 0 : i32
    %dma_start3A_79 = tpu.memref_slice %arg2[%dma_start3A_77, %dma_start3A_78] : memref<8192x1024xf32, #tpu.memory_space<hbm>> -> memref<8192x1024xf32, #tpu.memory_space<hbm>>
    tpu.enqueue_indirect_dma source(%dma_start3A_79 : memref<8192x1024xf32, #tpu.memory_space<hbm>>) target(%arg6 : memref<16x1024xf32, #tpu.memory_space<vmem>>) offsets(%dma_start3A_76 : memref<16xi32, #tpu.memory_space<vmem>>) semaphore(%arg12 : memref<!tpu.dma_semaphore, #tpu.memory_space<semaphore_mem>>)
    %dma_wait3A_80 = arith.constant 2 : i32
    %dma_wait3A_81 = arith.constant 0 : i32
    %dma_wait3A_82 = tpu.memref_slice %arg5[%dma_wait3A_80, %dma_wait3A_81] : memref<16x16xi32, #tpu.memory_space<vmem>> -> memref<1x16xi32, #tpu.memory_space<vmem>>
    %dma_wait3A_83 = tpu.memref_squeeze %dma_wait3A_82 : memref<1x16xi32, #tpu.memory_space<vmem>> -> memref<16xi32, #tpu.memory_space<vmem>>
    %dma_wait3A_84 = arith.constant 0 : i32
    %dma_wait3A_85 = arith.constant 0 : i32
    %dma_wait3A_86 = tpu.memref_slice %arg2[%dma_wait3A_84, %dma_wait3A_85] : memref<8192x1024xf32, #tpu.memory_space<hbm>> -> memref<8192x1024xf32, #tpu.memory_space<hbm>>
    tpu.wait_indirect_dma semaphore(%arg14 : memref<!tpu.dma_semaphore, #tpu.memory_space<semaphore_mem>>) src(%dma_wait3A_86 : memref<8192x1024xf32, #tpu.memory_space<hbm>>) dst(%arg8 : memref<16x1024xf32, #tpu.memory_space<vmem>>)
    %add3A_87 = arith.constant 32 : i32
    %add3A_88 = arith.addi %mul3A_2, %add3A_87 : i32
    %dma_start3A_89 = arith.constant 0 : i32
    %dma_start3A_90 = tpu.memref_slice %arg4[%add3A_88, %dma_start3A_89] : memref<8192x1024xf32, #tpu.memory_space<hbm>> -> memref<16x1024xf32, #tpu.memory_space<hbm>>
    %dma_start3A_91 = arith.constant 0 : i32
    %dma_start3A_92 = tpu.memref_slice %arg4[%add3A_88, %dma_start3A_91] : memref<8192x1024xf32, #tpu.memory_space<hbm>> -> memref<16x1024xf32, #tpu.memory_space<hbm>>
    tpu.enqueue_dma source(%arg8 : memref<16x1024xf32, #tpu.memory_space<vmem>>) target(%dma_start3A_92 : memref<16x1024xf32, #tpu.memory_space<hbm>>) target_semaphore(%arg20 : memref<!tpu.dma_semaphore, #tpu.memory_space<semaphore_mem>>)
    %dma_wait3A_93 = arith.constant 0 : i32
    %dma_wait3A_94 = tpu.memref_slice %arg4[%add3A_64, %dma_wait3A_93] : memref<8192x1024xf32, #tpu.memory_space<hbm>> -> memref<16x1024xf32, #tpu.memory_space<hbm>>
    %dma_wait3A_95 = arith.constant 0 : i32
    %dma_wait3A_96 = tpu.memref_slice %arg4[%add3A_64, %dma_wait3A_95] : memref<8192x1024xf32, #tpu.memory_space<hbm>> -> memref<16x1024xf32, #tpu.memory_space<hbm>>
    tpu.wait_dma2 semaphore(%arg19 : memref<!tpu.dma_semaphore, #tpu.memory_space<semaphore_mem>>) src(%arg7 : memref<16x1024xf32, #tpu.memory_space<vmem>>) dst(%dma_wait3A_96 : memref<16x1024xf32, #tpu.memory_space<hbm>>)
    %dma_start3A_97 = arith.constant 7 : i32
    %dma_start3A_98 = arith.constant 0 : i32
    %dma_start3A_99 = tpu.memref_slice %arg5[%dma_start3A_97, %dma_start3A_98] : memref<16x16xi32, #tpu.memory_space<vmem>> -> memref<1x16xi32, #tpu.memory_space<vmem>>
    %dma_start3A_100 = tpu.memref_squeeze %dma_start3A_99 : memref<1x16xi32, #tpu.memory_space<vmem>> -> memref<16xi32, #tpu.memory_space<vmem>>
    %dma_start3A_101 = arith.constant 0 : i32
    %dma_start3A_102 = arith.constant 0 : i32
    %dma_start3A_103 = tpu.memref_slice %arg2[%dma_start3A_101, %dma_start3A_102] : memref<8192x1024xf32, #tpu.memory_space<hbm>> -> memref<8192x1024xf32, #tpu.memory_space<hbm>>
    tpu.enqueue_indirect_dma source(%dma_start3A_103 : memref<8192x1024xf32, #tpu.memory_space<hbm>>) target(%arg7 : memref<16x1024xf32, #tpu.memory_space<vmem>>) offsets(%dma_start3A_100 : memref<16xi32, #tpu.memory_space<vmem>>) semaphore(%arg13 : memref<!tpu.dma_semaphore, #tpu.memory_space<semaphore_mem>>)
    %dma_wait3A_104 = arith.constant 3 : i32
    %dma_wait3A_105 = arith.constant 0 : i32
    %dma_wait3A_106 = tpu.memref_slice %arg5[%dma_wait3A_104, %dma_wait3A_105] : memref<16x16xi32, #tpu.memory_space<vmem>> -> memref<1x16xi32, #tpu.memory_space<vmem>>
    %dma_wait3A_107 = tpu.memref_squeeze %dma_wait3A_106 : memref<1x16xi32, #tpu.memory_space<vmem>> -> memref<16xi32, #tpu.memory_space<vmem>>
    %dma_wait3A_108 = arith.constant 0 : i32
    %dma_wait3A_109 = arith.constant 0 : i32
    %dma_wait3A_110 = tpu.memref_slice %arg2[%dma_wait3A_108, %dma_wait3A_109] : memref<8192x1024xf32, #tpu.memory_space<hbm>> -> memref<8192x1024xf32, #tpu.memory_space<hbm>>
    tpu.wait_indirect_dma semaphore(%arg15 : memref<!tpu.dma_semaphore, #tpu.memory_space<semaphore_mem>>) src(%dma_wait3A_110 : memref<8192x1024xf32, #tpu.memory_space<hbm>>) dst(%arg9 : memref<16x1024xf32, #tpu.memory_space<vmem>>)
    %add3A_111 = arith.constant 48 : i32
    %add3A_112 = arith.addi %mul3A_2, %add3A_111 : i32
    %dma_start3A_113 = arith.constant 0 : i32
    %dma_start3A_114 = tpu.memref_slice %arg4[%add3A_112, %dma_start3A_113] : memref<8192x1024xf32, #tpu.memory_space<hbm>> -> memref<16x1024xf32, #tpu.memory_space<hbm>>
    %dma_start3A_115 = arith.constant 0 : i32
    %dma_start3A_116 = tpu.memref_slice %arg4[%add3A_112, %dma_start3A_115] : memref<8192x1024xf32, #tpu.memory_space<hbm>> -> memref<16x1024xf32, #tpu.memory_space<hbm>>
    tpu.enqueue_dma source(%arg9 : memref<16x1024xf32, #tpu.memory_space<vmem>>) target(%dma_start3A_116 : memref<16x1024xf32, #tpu.memory_space<hbm>>) target_semaphore(%arg21 : memref<!tpu.dma_semaphore, #tpu.memory_space<semaphore_mem>>)
    %dma_wait3A_117 = arith.constant 0 : i32
    %dma_wait3A_118 = tpu.memref_slice %arg4[%add3A_88, %dma_wait3A_117] : memref<8192x1024xf32, #tpu.memory_space<hbm>> -> memref<16x1024xf32, #tpu.memory_space<hbm>>
    %dma_wait3A_119 = arith.constant 0 : i32
    %dma_wait3A_120 = tpu.memref_slice %arg4[%add3A_88, %dma_wait3A_119] : memref<8192x1024xf32, #tpu.memory_space<hbm>> -> memref<16x1024xf32, #tpu.memory_space<hbm>>
    tpu.wait_dma2 semaphore(%arg20 : memref<!tpu.dma_semaphore, #tpu.memory_space<semaphore_mem>>) src(%arg8 : memref<16x1024xf32, #tpu.memory_space<vmem>>) dst(%dma_wait3A_120 : memref<16x1024xf32, #tpu.memory_space<hbm>>)
    %dma_start3A_121 = arith.constant 8 : i32
    %dma_start3A_122 = arith.constant 0 : i32
    %dma_start3A_123 = tpu.memref_slice %arg5[%dma_start3A_121, %dma_start3A_122] : memref<16x16xi32, #tpu.memory_space<vmem>> -> memref<1x16xi32, #tpu.memory_space<vmem>>
    %dma_start3A_124 = tpu.memref_squeeze %dma_start3A_123 : memref<1x16xi32, #tpu.memory_space<vmem>> -> memref<16xi32, #tpu.memory_space<vmem>>
    %dma_start3A_125 = arith.constant 0 : i32
    %dma_start3A_126 = arith.constant 0 : i32
    %dma_start3A_127 = tpu.memref_slice %arg2[%dma_start3A_125, %dma_start3A_126] : memref<8192x1024xf32, #tpu.memory_space<hbm>> -> memref<8192x1024xf32, #tpu.memory_space<hbm>>
    tpu.enqueue_indirect_dma source(%dma_start3A_127 : memref<8192x1024xf32, #tpu.memory_space<hbm>>) target(%arg8 : memref<16x1024xf32, #tpu.memory_space<vmem>>) offsets(%dma_start3A_124 : memref<16xi32, #tpu.memory_space<vmem>>) semaphore(%arg14 : memref<!tpu.dma_semaphore, #tpu.memory_space<semaphore_mem>>)
    %dma_wait3A_128 = arith.constant 4 : i32
    %dma_wait3A_129 = arith.constant 0 : i32
    %dma_wait3A_130 = tpu.memref_slice %arg5[%dma_wait3A_128, %dma_wait3A_129] : memref<16x16xi32, #tpu.memory_space<vmem>> -> memref<1x16xi32, #tpu.memory_space<vmem>>
    %dma_wait3A_131 = tpu.memref_squeeze %dma_wait3A_130 : memref<1x16xi32, #tpu.memory_space<vmem>> -> memref<16xi32, #tpu.memory_space<vmem>>
    %dma_wait3A_132 = arith.constant 0 : i32
    %dma_wait3A_133 = arith.constant 0 : i32
    %dma_wait3A_134 = tpu.memref_slice %arg2[%dma_wait3A_132, %dma_wait3A_133] : memref<8192x1024xf32, #tpu.memory_space<hbm>> -> memref<8192x1024xf32, #tpu.memory_space<hbm>>
    tpu.wait_indirect_dma semaphore(%arg16 : memref<!tpu.dma_semaphore, #tpu.memory_space<semaphore_mem>>) src(%dma_wait3A_134 : memref<8192x1024xf32, #tpu.memory_space<hbm>>) dst(%arg10 : memref<16x1024xf32, #tpu.memory_space<vmem>>)
    %add3A_135 = arith.constant 64 : i32
    %add3A_136 = arith.addi %mul3A_2, %add3A_135 : i32
    %dma_start3A_137 = arith.constant 0 : i32
    %dma_start3A_138 = tpu.memref_slice %arg4[%add3A_136, %dma_start3A_137] : memref<8192x1024xf32, #tpu.memory_space<hbm>> -> memref<16x1024xf32, #tpu.memory_space<hbm>>
    %dma_start3A_139 = arith.constant 0 : i32
    %dma_start3A_140 = tpu.memref_slice %arg4[%add3A_136, %dma_start3A_139] : memref<8192x1024xf32, #tpu.memory_space<hbm>> -> memref<16x1024xf32, #tpu.memory_space<hbm>>
    tpu.enqueue_dma source(%arg10 : memref<16x1024xf32, #tpu.memory_space<vmem>>) target(%dma_start3A_140 : memref<16x1024xf32, #tpu.memory_space<hbm>>) target_semaphore(%arg22 : memref<!tpu.dma_semaphore, #tpu.memory_space<semaphore_mem>>)
    %dma_wait3A_141 = arith.constant 0 : i32
    %dma_wait3A_142 = tpu.memref_slice %arg4[%add3A_112, %dma_wait3A_141] : memref<8192x1024xf32, #tpu.memory_space<hbm>> -> memref<16x1024xf32, #tpu.memory_space<hbm>>
    %dma_wait3A_143 = arith.constant 0 : i32
    %dma_wait3A_144 = tpu.memref_slice %arg4[%add3A_112, %dma_wait3A_143] : memref<8192x1024xf32, #tpu.memory_space<hbm>> -> memref<16x1024xf32, #tpu.memory_space<hbm>>
    tpu.wait_dma2 semaphore(%arg21 : memref<!tpu.dma_semaphore, #tpu.memory_space<semaphore_mem>>) src(%arg9 : memref<16x1024xf32, #tpu.memory_space<vmem>>) dst(%dma_wait3A_144 : memref<16x1024xf32, #tpu.memory_space<hbm>>)
    %dma_start3A_145 = arith.constant 9 : i32
    %dma_start3A_146 = arith.constant 0 : i32
    %dma_start3A_147 = tpu.memref_slice %arg5[%dma_start3A_145, %dma_start3A_146] : memref<16x16xi32, #tpu.memory_space<vmem>> -> memref<1x16xi32, #tpu.memory_space<vmem>>
    %dma_start3A_148 = tpu.memref_squeeze %dma_start3A_147 : memref<1x16xi32, #tpu.memory_space<vmem>> -> memref<16xi32, #tpu.memory_space<vmem>>
    %dma_start3A_149 = arith.constant 0 : i32
    %dma_start3A_150 = arith.constant 0 : i32
    %dma_start3A_151 = tpu.memref_slice %arg2[%dma_start3A_149, %dma_start3A_150] : memref<8192x1024xf32, #tpu.memory_space<hbm>> -> memref<8192x1024xf32, #tpu.memory_space<hbm>>
    tpu.enqueue_indirect_dma source(%dma_start3A_151 : memref<8192x1024xf32, #tpu.memory_space<hbm>>) target(%arg9 : memref<16x1024xf32, #tpu.memory_space<vmem>>) offsets(%dma_start3A_148 : memref<16xi32, #tpu.memory_space<vmem>>) semaphore(%arg15 : memref<!tpu.dma_semaphore, #tpu.memory_space<semaphore_mem>>)
    %dma_wait3A_152 = arith.constant 5 : i32
    %dma_wait3A_153 = arith.constant 0 : i32
    %dma_wait3A_154 = tpu.memref_slice %arg5[%dma_wait3A_152, %dma_wait3A_153] : memref<16x16xi32, #tpu.memory_space<vmem>> -> memref<1x16xi32, #tpu.memory_space<vmem>>
    %dma_wait3A_155 = tpu.memref_squeeze %dma_wait3A_154 : memref<1x16xi32, #tpu.memory_space<vmem>> -> memref<16xi32, #tpu.memory_space<vmem>>
    %dma_wait3A_156 = arith.constant 0 : i32
    %dma_wait3A_157 = arith.constant 0 : i32
    %dma_wait3A_158 = tpu.memref_slice %arg2[%dma_wait3A_156, %dma_wait3A_157] : memref<8192x1024xf32, #tpu.memory_space<hbm>> -> memref<8192x1024xf32, #tpu.memory_space<hbm>>
    tpu.wait_indirect_dma semaphore(%arg17 : memref<!tpu.dma_semaphore, #tpu.memory_space<semaphore_mem>>) src(%dma_wait3A_158 : memref<8192x1024xf32, #tpu.memory_space<hbm>>) dst(%arg11 : memref<16x1024xf32, #tpu.memory_space<vmem>>)
    %add3A_159 = arith.constant 80 : i32
    %add3A_160 = arith.addi %mul3A_2, %add3A_159 : i32
    %dma_start3A_161 = arith.constant 0 : i32
    %dma_start3A_162 = tpu.memref_slice %arg4[%add3A_160, %dma_start3A_161] : memref<8192x1024xf32, #tpu.memory_space<hbm>> -> memref<16x1024xf32, #tpu.memory_space<hbm>>
    %dma_start3A_163 = arith.constant 0 : i32
    %dma_start3A_164 = tpu.memref_slice %arg4[%add3A_160, %dma_start3A_163] : memref<8192x1024xf32, #tpu.memory_space<hbm>> -> memref<16x1024xf32, #tpu.memory_space<hbm>>
    tpu.enqueue_dma source(%arg11 : memref<16x1024xf32, #tpu.memory_space<vmem>>) target(%dma_start3A_164 : memref<16x1024xf32, #tpu.memory_space<hbm>>) target_semaphore(%arg23 : memref<!tpu.dma_semaphore, #tpu.memory_space<semaphore_mem>>)
    %dma_wait3A_165 = arith.constant 0 : i32
    %dma_wait3A_166 = tpu.memref_slice %arg4[%add3A_136, %dma_wait3A_165] : memref<8192x1024xf32, #tpu.memory_space<hbm>> -> memref<16x1024xf32, #tpu.memory_space<hbm>>
    %dma_wait3A_167 = arith.constant 0 : i32
    %dma_wait3A_168 = tpu.memref_slice %arg4[%add3A_136, %dma_wait3A_167] : memref<8192x1024xf32, #tpu.memory_space<hbm>> -> memref<16x1024xf32, #tpu.memory_space<hbm>>
    tpu.wait_dma2 semaphore(%arg22 : memref<!tpu.dma_semaphore, #tpu.memory_space<semaphore_mem>>) src(%arg10 : memref<16x1024xf32, #tpu.memory_space<vmem>>) dst(%dma_wait3A_168 : memref<16x1024xf32, #tpu.memory_space<hbm>>)
    %dma_start3A_169 = arith.constant 10 : i32
    %dma_start3A_170 = arith.constant 0 : i32
    %dma_start3A_171 = tpu.memref_slice %arg5[%dma_start3A_169, %dma_start3A_170] : memref<16x16xi32, #tpu.memory_space<vmem>> -> memref<1x16xi32, #tpu.memory_space<vmem>>
    %dma_start3A_172 = tpu.memref_squeeze %dma_start3A_171 : memref<1x16xi32, #tpu.memory_space<vmem>> -> memref<16xi32, #tpu.memory_space<vmem>>
    %dma_start3A_173 = arith.constant 0 : i32
    %dma_start3A_174 = arith.constant 0 : i32
    %dma_start3A_175 = tpu.memref_slice %arg2[%dma_start3A_173, %dma_start3A_174] : memref<8192x1024xf32, #tpu.memory_space<hbm>> -> memref<8192x1024xf32, #tpu.memory_space<hbm>>
    tpu.enqueue_indirect_dma source(%dma_start3A_175 : memref<8192x1024xf32, #tpu.memory_space<hbm>>) target(%arg10 : memref<16x1024xf32, #tpu.memory_space<vmem>>) offsets(%dma_start3A_172 : memref<16xi32, #tpu.memory_space<vmem>>) semaphore(%arg16 : memref<!tpu.dma_semaphore, #tpu.memory_space<semaphore_mem>>)
    %dma_wait3A_176 = arith.constant 6 : i32
    %dma_wait3A_177 = arith.constant 0 : i32
    %dma_wait3A_178 = tpu.memref_slice %arg5[%dma_wait3A_176, %dma_wait3A_177] : memref<16x16xi32, #tpu.memory_space<vmem>> -> memref<1x16xi32, #tpu.memory_space<vmem>>
    %dma_wait3A_179 = tpu.memref_squeeze %dma_wait3A_178 : memref<1x16xi32, #tpu.memory_space<vmem>> -> memref<16xi32, #tpu.memory_space<vmem>>
    %dma_wait3A_180 = arith.constant 0 : i32
    %dma_wait3A_181 = arith.constant 0 : i32
    %dma_wait3A_182 = tpu.memref_slice %arg2[%dma_wait3A_180, %dma_wait3A_181] : memref<8192x1024xf32, #tpu.memory_space<hbm>> -> memref<8192x1024xf32, #tpu.memory_space<hbm>>
    tpu.wait_indirect_dma semaphore(%arg12 : memref<!tpu.dma_semaphore, #tpu.memory_space<semaphore_mem>>) src(%dma_wait3A_182 : memref<8192x1024xf32, #tpu.memory_space<hbm>>) dst(%arg6 : memref<16x1024xf32, #tpu.memory_space<vmem>>)
    %add3A_183 = arith.constant 96 : i32
    %add3A_184 = arith.addi %mul3A_2, %add3A_183 : i32
    %dma_start3A_185 = arith.constant 0 : i32
    %dma_start3A_186 = tpu.memref_slice %arg4[%add3A_184, %dma_start3A_185] : memref<8192x1024xf32, #tpu.memory_space<hbm>> -> memref<16x1024xf32, #tpu.memory_space<hbm>>
    %dma_start3A_187 = arith.constant 0 : i32
    %dma_start3A_188 = tpu.memref_slice %arg4[%add3A_184, %dma_start3A_187] : memref<8192x1024xf32, #tpu.memory_space<hbm>> -> memref<16x1024xf32, #tpu.memory_space<hbm>>
    tpu.enqueue_dma source(%arg6 : memref<16x1024xf32, #tpu.memory_space<vmem>>) target(%dma_start3A_188 : memref<16x1024xf32, #tpu.memory_space<hbm>>) target_semaphore(%arg18 : memref<!tpu.dma_semaphore, #tpu.memory_space<semaphore_mem>>)
    %dma_wait3A_189 = arith.constant 0 : i32
    %dma_wait3A_190 = tpu.memref_slice %arg4[%add3A_160, %dma_wait3A_189] : memref<8192x1024xf32, #tpu.memory_space<hbm>> -> memref<16x1024xf32, #tpu.memory_space<hbm>>
    %dma_wait3A_191 = arith.constant 0 : i32
    %dma_wait3A_192 = tpu.memref_slice %arg4[%add3A_160, %dma_wait3A_191] : memref<8192x1024xf32, #tpu.memory_space<hbm>> -> memref<16x1024xf32, #tpu.memory_space<hbm>>
    tpu.wait_dma2 semaphore(%arg23 : memref<!tpu.dma_semaphore, #tpu.memory_space<semaphore_mem>>) src(%arg11 : memref<16x1024xf32, #tpu.memory_space<vmem>>) dst(%dma_wait3A_192 : memref<16x1024xf32, #tpu.memory_space<hbm>>)
    %dma_start3A_193 = arith.constant 11 : i32
    %dma_start3A_194 = arith.constant 0 : i32
    %dma_start3A_195 = tpu.memref_slice %arg5[%dma_start3A_193, %dma_start3A_194] : memref<16x16xi32, #tpu.memory_space<vmem>> -> memref<1x16xi32, #tpu.memory_space<vmem>>
    %dma_start3A_196 = tpu.memref_squeeze %dma_start3A_195 : memref<1x16xi32, #tpu.memory_space<vmem>> -> memref<16xi32, #tpu.memory_space<vmem>>
    %dma_start3A_197 = arith.constant 0 : i32
    %dma_start3A_198 = arith.constant 0 : i32
    %dma_start3A_199 = tpu.memref_slice %arg2[%dma_start3A_197, %dma_start3A_198] : memref<8192x1024xf32, #tpu.memory_space<hbm>> -> memref<8192x1024xf32, #tpu.memory_space<hbm>>
    tpu.enqueue_indirect_dma source(%dma_start3A_199 : memref<8192x1024xf32, #tpu.memory_space<hbm>>) target(%arg11 : memref<16x1024xf32, #tpu.memory_space<vmem>>) offsets(%dma_start3A_196 : memref<16xi32, #tpu.memory_space<vmem>>) semaphore(%arg17 : memref<!tpu.dma_semaphore, #tpu.memory_space<semaphore_mem>>)
    %dma_wait3A_200 = arith.constant 7 : i32
    %dma_wait3A_201 = arith.constant 0 : i32
    %dma_wait3A_202 = tpu.memref_slice %arg5[%dma_wait3A_200, %dma_wait3A_201] : memref<16x16xi32, #tpu.memory_space<vmem>> -> memref<1x16xi32, #tpu.memory_space<vmem>>
    %dma_wait3A_203 = tpu.memref_squeeze %dma_wait3A_202 : memref<1x16xi32, #tpu.memory_space<vmem>> -> memref<16xi32, #tpu.memory_space<vmem>>
    %dma_wait3A_204 = arith.constant 0 : i32
    %dma_wait3A_205 = arith.constant 0 : i32
    %dma_wait3A_206 = tpu.memref_slice %arg2[%dma_wait3A_204, %dma_wait3A_205] : memref<8192x1024xf32, #tpu.memory_space<hbm>> -> memref<8192x1024xf32, #tpu.memory_space<hbm>>
    tpu.wait_indirect_dma semaphore(%arg13 : memref<!tpu.dma_semaphore, #tpu.memory_space<semaphore_mem>>) src(%dma_wait3A_206 : memref<8192x1024xf32, #tpu.memory_space<hbm>>) dst(%arg7 : memref<16x1024xf32, #tpu.memory_space<vmem>>)
    %add3A_207 = arith.constant 112 : i32
    %add3A_208 = arith.addi %mul3A_2, %add3A_207 : i32
    %dma_start3A_209 = arith.constant 0 : i32
    %dma_start3A_210 = tpu.memref_slice %arg4[%add3A_208, %dma_start3A_209] : memref<8192x1024xf32, #tpu.memory_space<hbm>> -> memref<16x1024xf32, #tpu.memory_space<hbm>>
    %dma_start3A_211 = arith.constant 0 : i32
    %dma_start3A_212 = tpu.memref_slice %arg4[%add3A_208, %dma_start3A_211] : memref<8192x1024xf32, #tpu.memory_space<hbm>> -> memref<16x1024xf32, #tpu.memory_space<hbm>>
    tpu.enqueue_dma source(%arg7 : memref<16x1024xf32, #tpu.memory_space<vmem>>) target(%dma_start3A_212 : memref<16x1024xf32, #tpu.memory_space<hbm>>) target_semaphore(%arg19 : memref<!tpu.dma_semaphore, #tpu.memory_space<semaphore_mem>>)
    %dma_wait3A_213 = arith.constant 0 : i32
    %dma_wait3A_214 = tpu.memref_slice %arg4[%add3A_184, %dma_wait3A_213] : memref<8192x1024xf32, #tpu.memory_space<hbm>> -> memref<16x1024xf32, #tpu.memory_space<hbm>>
    %dma_wait3A_215 = arith.constant 0 : i32
    %dma_wait3A_216 = tpu.memref_slice %arg4[%add3A_184, %dma_wait3A_215] : memref<8192x1024xf32, #tpu.memory_space<hbm>> -> memref<16x1024xf32, #tpu.memory_space<hbm>>
    tpu.wait_dma2 semaphore(%arg18 : memref<!tpu.dma_semaphore, #tpu.memory_space<semaphore_mem>>) src(%arg6 : memref<16x1024xf32, #tpu.memory_space<vmem>>) dst(%dma_wait3A_216 : memref<16x1024xf32, #tpu.memory_space<hbm>>)
    %dma_start3A_217 = arith.constant 12 : i32
    %dma_start3A_218 = arith.constant 0 : i32
    %dma_start3A_219 = tpu.memref_slice %arg5[%dma_start3A_217, %dma_start3A_218] : memref<16x16xi32, #tpu.memory_space<vmem>> -> memref<1x16xi32, #tpu.memory_space<vmem>>
    %dma_start3A_220 = tpu.memref_squeeze %dma_start3A_219 : memref<1x16xi32, #tpu.memory_space<vmem>> -> memref<16xi32, #tpu.memory_space<vmem>>
    %dma_start3A_221 = arith.constant 0 : i32
    %dma_start3A_222 = arith.constant 0 : i32
    %dma_start3A_223 = tpu.memref_slice %arg2[%dma_start3A_221, %dma_start3A_222] : memref<8192x1024xf32, #tpu.memory_space<hbm>> -> memref<8192x1024xf32, #tpu.memory_space<hbm>>
    tpu.enqueue_indirect_dma source(%dma_start3A_223 : memref<8192x1024xf32, #tpu.memory_space<hbm>>) target(%arg6 : memref<16x1024xf32, #tpu.memory_space<vmem>>) offsets(%dma_start3A_220 : memref<16xi32, #tpu.memory_space<vmem>>) semaphore(%arg12 : memref<!tpu.dma_semaphore, #tpu.memory_space<semaphore_mem>>)
    %dma_wait3A_224 = arith.constant 8 : i32
    %dma_wait3A_225 = arith.constant 0 : i32
    %dma_wait3A_226 = tpu.memref_slice %arg5[%dma_wait3A_224, %dma_wait3A_225] : memref<16x16xi32, #tpu.memory_space<vmem>> -> memref<1x16xi32, #tpu.memory_space<vmem>>
    %dma_wait3A_227 = tpu.memref_squeeze %dma_wait3A_226 : memref<1x16xi32, #tpu.memory_space<vmem>> -> memref<16xi32, #tpu.memory_space<vmem>>
    %dma_wait3A_228 = arith.constant 0 : i32
    %dma_wait3A_229 = arith.constant 0 : i32
    %dma_wait3A_230 = tpu.memref_slice %arg2[%dma_wait3A_228, %dma_wait3A_229] : memref<8192x1024xf32, #tpu.memory_space<hbm>> -> memref<8192x1024xf32, #tpu.memory_space<hbm>>
    tpu.wait_indirect_dma semaphore(%arg14 : memref<!tpu.dma_semaphore, #tpu.memory_space<semaphore_mem>>) src(%dma_wait3A_230 : memref<8192x1024xf32, #tpu.memory_space<hbm>>) dst(%arg8 : memref<16x1024xf32, #tpu.memory_space<vmem>>)
    %add3A_231 = arith.constant 128 : i32
    %add3A_232 = arith.addi %mul3A_2, %add3A_231 : i32
    %dma_start3A_233 = arith.constant 0 : i32
    %dma_start3A_234 = tpu.memref_slice %arg4[%add3A_232, %dma_start3A_233] : memref<8192x1024xf32, #tpu.memory_space<hbm>> -> memref<16x1024xf32, #tpu.memory_space<hbm>>
    %dma_start3A_235 = arith.constant 0 : i32
    %dma_start3A_236 = tpu.memref_slice %arg4[%add3A_232, %dma_start3A_235] : memref<8192x1024xf32, #tpu.memory_space<hbm>> -> memref<16x1024xf32, #tpu.memory_space<hbm>>
    tpu.enqueue_dma source(%arg8 : memref<16x1024xf32, #tpu.memory_space<vmem>>) target(%dma_start3A_236 : memref<16x1024xf32, #tpu.memory_space<hbm>>) target_semaphore(%arg20 : memref<!tpu.dma_semaphore, #tpu.memory_space<semaphore_mem>>)
    %dma_wait3A_237 = arith.constant 0 : i32
    %dma_wait3A_238 = tpu.memref_slice %arg4[%add3A_208, %dma_wait3A_237] : memref<8192x1024xf32, #tpu.memory_space<hbm>> -> memref<16x1024xf32, #tpu.memory_space<hbm>>
    %dma_wait3A_239 = arith.constant 0 : i32
    %dma_wait3A_240 = tpu.memref_slice %arg4[%add3A_208, %dma_wait3A_239] : memref<8192x1024xf32, #tpu.memory_space<hbm>> -> memref<16x1024xf32, #tpu.memory_space<hbm>>
    tpu.wait_dma2 semaphore(%arg19 : memref<!tpu.dma_semaphore, #tpu.memory_space<semaphore_mem>>) src(%arg7 : memref<16x1024xf32, #tpu.memory_space<vmem>>) dst(%dma_wait3A_240 : memref<16x1024xf32, #tpu.memory_space<hbm>>)
    %dma_start3A_241 = arith.constant 13 : i32
    %dma_start3A_242 = arith.constant 0 : i32
    %dma_start3A_243 = tpu.memref_slice %arg5[%dma_start3A_241, %dma_start3A_242] : memref<16x16xi32, #tpu.memory_space<vmem>> -> memref<1x16xi32, #tpu.memory_space<vmem>>
    %dma_start3A_244 = tpu.memref_squeeze %dma_start3A_243 : memref<1x16xi32, #tpu.memory_space<vmem>> -> memref<16xi32, #tpu.memory_space<vmem>>
    %dma_start3A_245 = arith.constant 0 : i32
    %dma_start3A_246 = arith.constant 0 : i32
    %dma_start3A_247 = tpu.memref_slice %arg2[%dma_start3A_245, %dma_start3A_246] : memref<8192x1024xf32, #tpu.memory_space<hbm>> -> memref<8192x1024xf32, #tpu.memory_space<hbm>>
    tpu.enqueue_indirect_dma source(%dma_start3A_247 : memref<8192x1024xf32, #tpu.memory_space<hbm>>) target(%arg7 : memref<16x1024xf32, #tpu.memory_space<vmem>>) offsets(%dma_start3A_244 : memref<16xi32, #tpu.memory_space<vmem>>) semaphore(%arg13 : memref<!tpu.dma_semaphore, #tpu.memory_space<semaphore_mem>>)
    %dma_wait3A_248 = arith.constant 9 : i32
    %dma_wait3A_249 = arith.constant 0 : i32
    %dma_wait3A_250 = tpu.memref_slice %arg5[%dma_wait3A_248, %dma_wait3A_249] : memref<16x16xi32, #tpu.memory_space<vmem>> -> memref<1x16xi32, #tpu.memory_space<vmem>>
    %dma_wait3A_251 = tpu.memref_squeeze %dma_wait3A_250 : memref<1x16xi32, #tpu.memory_space<vmem>> -> memref<16xi32, #tpu.memory_space<vmem>>
    %dma_wait3A_252 = arith.constant 0 : i32
    %dma_wait3A_253 = arith.constant 0 : i32
    %dma_wait3A_254 = tpu.memref_slice %arg2[%dma_wait3A_252, %dma_wait3A_253] : memref<8192x1024xf32, #tpu.memory_space<hbm>> -> memref<8192x1024xf32, #tpu.memory_space<hbm>>
    tpu.wait_indirect_dma semaphore(%arg15 : memref<!tpu.dma_semaphore, #tpu.memory_space<semaphore_mem>>) src(%dma_wait3A_254 : memref<8192x1024xf32, #tpu.memory_space<hbm>>) dst(%arg9 : memref<16x1024xf32, #tpu.memory_space<vmem>>)
    %add3A_255 = arith.constant 144 : i32
    %add3A_256 = arith.addi %mul3A_2, %add3A_255 : i32
    %dma_start3A_257 = arith.constant 0 : i32
    %dma_start3A_258 = tpu.memref_slice %arg4[%add3A_256, %dma_start3A_257] : memref<8192x1024xf32, #tpu.memory_space<hbm>> -> memref<16x1024xf32, #tpu.memory_space<hbm>>
    %dma_start3A_259 = arith.constant 0 : i32
    %dma_start3A_260 = tpu.memref_slice %arg4[%add3A_256, %dma_start3A_259] : memref<8192x1024xf32, #tpu.memory_space<hbm>> -> memref<16x1024xf32, #tpu.memory_space<hbm>>
    tpu.enqueue_dma source(%arg9 : memref<16x1024xf32, #tpu.memory_space<vmem>>) target(%dma_start3A_260 : memref<16x1024xf32, #tpu.memory_space<hbm>>) target_semaphore(%arg21 : memref<!tpu.dma_semaphore, #tpu.memory_space<semaphore_mem>>)
    %dma_wait3A_261 = arith.constant 0 : i32
    %dma_wait3A_262 = tpu.memref_slice %arg4[%add3A_232, %dma_wait3A_261] : memref<8192x1024xf32, #tpu.memory_space<hbm>> -> memref<16x1024xf32, #tpu.memory_space<hbm>>
    %dma_wait3A_263 = arith.constant 0 : i32
    %dma_wait3A_264 = tpu.memref_slice %arg4[%add3A_232, %dma_wait3A_263] : memref<8192x1024xf32, #tpu.memory_space<hbm>> -> memref<16x1024xf32, #tpu.memory_space<hbm>>
    tpu.wait_dma2 semaphore(%arg20 : memref<!tpu.dma_semaphore, #tpu.memory_space<semaphore_mem>>) src(%arg8 : memref<16x1024xf32, #tpu.memory_space<vmem>>) dst(%dma_wait3A_264 : memref<16x1024xf32, #tpu.memory_space<hbm>>)
    %dma_start3A_265 = arith.constant 14 : i32
    %dma_start3A_266 = arith.constant 0 : i32
    %dma_start3A_267 = tpu.memref_slice %arg5[%dma_start3A_265, %dma_start3A_266] : memref<16x16xi32, #tpu.memory_space<vmem>> -> memref<1x16xi32, #tpu.memory_space<vmem>>
    %dma_start3A_268 = tpu.memref_squeeze %dma_start3A_267 : memref<1x16xi32, #tpu.memory_space<vmem>> -> memref<16xi32, #tpu.memory_space<vmem>>
    %dma_start3A_269 = arith.constant 0 : i32
    %dma_start3A_270 = arith.constant 0 : i32
    %dma_start3A_271 = tpu.memref_slice %arg2[%dma_start3A_269, %dma_start3A_270] : memref<8192x1024xf32, #tpu.memory_space<hbm>> -> memref<8192x1024xf32, #tpu.memory_space<hbm>>
    tpu.enqueue_indirect_dma source(%dma_start3A_271 : memref<8192x1024xf32, #tpu.memory_space<hbm>>) target(%arg8 : memref<16x1024xf32, #tpu.memory_space<vmem>>) offsets(%dma_start3A_268 : memref<16xi32, #tpu.memory_space<vmem>>) semaphore(%arg14 : memref<!tpu.dma_semaphore, #tpu.memory_space<semaphore_mem>>)
    %dma_wait3A_272 = arith.constant 10 : i32
    %dma_wait3A_273 = arith.constant 0 : i32
    %dma_wait3A_274 = tpu.memref_slice %arg5[%dma_wait3A_272, %dma_wait3A_273] : memref<16x16xi32, #tpu.memory_space<vmem>> -> memref<1x16xi32, #tpu.memory_space<vmem>>
    %dma_wait3A_275 = tpu.memref_squeeze %dma_wait3A_274 : memref<1x16xi32, #tpu.memory_space<vmem>> -> memref<16xi32, #tpu.memory_space<vmem>>
    %dma_wait3A_276 = arith.constant 0 : i32
    %dma_wait3A_277 = arith.constant 0 : i32
    %dma_wait3A_278 = tpu.memref_slice %arg2[%dma_wait3A_276, %dma_wait3A_277] : memref<8192x1024xf32, #tpu.memory_space<hbm>> -> memref<8192x1024xf32, #tpu.memory_space<hbm>>
    tpu.wait_indirect_dma semaphore(%arg16 : memref<!tpu.dma_semaphore, #tpu.memory_space<semaphore_mem>>) src(%dma_wait3A_278 : memref<8192x1024xf32, #tpu.memory_space<hbm>>) dst(%arg10 : memref<16x1024xf32, #tpu.memory_space<vmem>>)
    %add3A_279 = arith.constant 160 : i32
    %add3A_280 = arith.addi %mul3A_2, %add3A_279 : i32
    %dma_start3A_281 = arith.constant 0 : i32
    %dma_start3A_282 = tpu.memref_slice %arg4[%add3A_280, %dma_start3A_281] : memref<8192x1024xf32, #tpu.memory_space<hbm>> -> memref<16x1024xf32, #tpu.memory_space<hbm>>
    %dma_start3A_283 = arith.constant 0 : i32
    %dma_start3A_284 = tpu.memref_slice %arg4[%add3A_280, %dma_start3A_283] : memref<8192x1024xf32, #tpu.memory_space<hbm>> -> memref<16x1024xf32, #tpu.memory_space<hbm>>
    tpu.enqueue_dma source(%arg10 : memref<16x1024xf32, #tpu.memory_space<vmem>>) target(%dma_start3A_284 : memref<16x1024xf32, #tpu.memory_space<hbm>>) target_semaphore(%arg22 : memref<!tpu.dma_semaphore, #tpu.memory_space<semaphore_mem>>)
    %dma_wait3A_285 = arith.constant 0 : i32
    %dma_wait3A_286 = tpu.memref_slice %arg4[%add3A_256, %dma_wait3A_285] : memref<8192x1024xf32, #tpu.memory_space<hbm>> -> memref<16x1024xf32, #tpu.memory_space<hbm>>
    %dma_wait3A_287 = arith.constant 0 : i32
    %dma_wait3A_288 = tpu.memref_slice %arg4[%add3A_256, %dma_wait3A_287] : memref<8192x1024xf32, #tpu.memory_space<hbm>> -> memref<16x1024xf32, #tpu.memory_space<hbm>>
    tpu.wait_dma2 semaphore(%arg21 : memref<!tpu.dma_semaphore, #tpu.memory_space<semaphore_mem>>) src(%arg9 : memref<16x1024xf32, #tpu.memory_space<vmem>>) dst(%dma_wait3A_288 : memref<16x1024xf32, #tpu.memory_space<hbm>>)
    %dma_start3A_289 = arith.constant 15 : i32
    %dma_start3A_290 = arith.constant 0 : i32
    %dma_start3A_291 = tpu.memref_slice %arg5[%dma_start3A_289, %dma_start3A_290] : memref<16x16xi32, #tpu.memory_space<vmem>> -> memref<1x16xi32, #tpu.memory_space<vmem>>
    %dma_start3A_292 = tpu.memref_squeeze %dma_start3A_291 : memref<1x16xi32, #tpu.memory_space<vmem>> -> memref<16xi32, #tpu.memory_space<vmem>>
    %dma_start3A_293 = arith.constant 0 : i32
    %dma_start3A_294 = arith.constant 0 : i32
    %dma_start3A_295 = tpu.memref_slice %arg2[%dma_start3A_293, %dma_start3A_294] : memref<8192x1024xf32, #tpu.memory_space<hbm>> -> memref<8192x1024xf32, #tpu.memory_space<hbm>>
    tpu.enqueue_indirect_dma source(%dma_start3A_295 : memref<8192x1024xf32, #tpu.memory_space<hbm>>) target(%arg9 : memref<16x1024xf32, #tpu.memory_space<vmem>>) offsets(%dma_start3A_292 : memref<16xi32, #tpu.memory_space<vmem>>) semaphore(%arg15 : memref<!tpu.dma_semaphore, #tpu.memory_space<semaphore_mem>>)
    %dma_wait3A_296 = arith.constant 11 : i32
    %dma_wait3A_297 = arith.constant 0 : i32
    %dma_wait3A_298 = tpu.memref_slice %arg5[%dma_wait3A_296, %dma_wait3A_297] : memref<16x16xi32, #tpu.memory_space<vmem>> -> memref<1x16xi32, #tpu.memory_space<vmem>>
    %dma_wait3A_299 = tpu.memref_squeeze %dma_wait3A_298 : memref<1x16xi32, #tpu.memory_space<vmem>> -> memref<16xi32, #tpu.memory_space<vmem>>
    %dma_wait3A_300 = arith.constant 0 : i32
    %dma_wait3A_301 = arith.constant 0 : i32
    %dma_wait3A_302 = tpu.memref_slice %arg2[%dma_wait3A_300, %dma_wait3A_301] : memref<8192x1024xf32, #tpu.memory_space<hbm>> -> memref<8192x1024xf32, #tpu.memory_space<hbm>>
    tpu.wait_indirect_dma semaphore(%arg17 : memref<!tpu.dma_semaphore, #tpu.memory_space<semaphore_mem>>) src(%dma_wait3A_302 : memref<8192x1024xf32, #tpu.memory_space<hbm>>) dst(%arg11 : memref<16x1024xf32, #tpu.memory_space<vmem>>)
    %add3A_303 = arith.constant 176 : i32
    %add3A_304 = arith.addi %mul3A_2, %add3A_303 : i32
    %dma_start3A_305 = arith.constant 0 : i32
    %dma_start3A_306 = tpu.memref_slice %arg4[%add3A_304, %dma_start3A_305] : memref<8192x1024xf32, #tpu.memory_space<hbm>> -> memref<16x1024xf32, #tpu.memory_space<hbm>>
    %dma_start3A_307 = arith.constant 0 : i32
    %dma_start3A_308 = tpu.memref_slice %arg4[%add3A_304, %dma_start3A_307] : memref<8192x1024xf32, #tpu.memory_space<hbm>> -> memref<16x1024xf32, #tpu.memory_space<hbm>>
    tpu.enqueue_dma source(%arg11 : memref<16x1024xf32, #tpu.memory_space<vmem>>) target(%dma_start3A_308 : memref<16x1024xf32, #tpu.memory_space<hbm>>) target_semaphore(%arg23 : memref<!tpu.dma_semaphore, #tpu.memory_space<semaphore_mem>>)
    %dma_wait3A_309 = arith.constant 12 : i32
    %dma_wait3A_310 = arith.constant 0 : i32
    %dma_wait3A_311 = tpu.memref_slice %arg5[%dma_wait3A_309, %dma_wait3A_310] : memref<16x16xi32, #tpu.memory_space<vmem>> -> memref<1x16xi32, #tpu.memory_space<vmem>>
    %dma_wait3A_312 = tpu.memref_squeeze %dma_wait3A_311 : memref<1x16xi32, #tpu.memory_space<vmem>> -> memref<16xi32, #tpu.memory_space<vmem>>
    %dma_wait3A_313 = arith.constant 0 : i32
    %dma_wait3A_314 = arith.constant 0 : i32
    %dma_wait3A_315 = tpu.memref_slice %arg2[%dma_wait3A_313, %dma_wait3A_314] : memref<8192x1024xf32, #tpu.memory_space<hbm>> -> memref<8192x1024xf32, #tpu.memory_space<hbm>>
    tpu.wait_indirect_dma semaphore(%arg12 : memref<!tpu.dma_semaphore, #tpu.memory_space<semaphore_mem>>) src(%dma_wait3A_315 : memref<8192x1024xf32, #tpu.memory_space<hbm>>) dst(%arg6 : memref<16x1024xf32, #tpu.memory_space<vmem>>)
    %add3A_316 = arith.constant 192 : i32
    %add3A_317 = arith.addi %mul3A_2, %add3A_316 : i32
    %dma_start3A_318 = arith.constant 0 : i32
    %dma_start3A_319 = tpu.memref_slice %arg4[%add3A_317, %dma_start3A_318] : memref<8192x1024xf32, #tpu.memory_space<hbm>> -> memref<16x1024xf32, #tpu.memory_space<hbm>>
    %dma_start3A_320 = arith.constant 0 : i32
    %dma_start3A_321 = tpu.memref_slice %arg4[%add3A_317, %dma_start3A_320] : memref<8192x1024xf32, #tpu.memory_space<hbm>> -> memref<16x1024xf32, #tpu.memory_space<hbm>>
    tpu.enqueue_dma source(%arg6 : memref<16x1024xf32, #tpu.memory_space<vmem>>) target(%dma_start3A_321 : memref<16x1024xf32, #tpu.memory_space<hbm>>) target_semaphore(%arg18 : memref<!tpu.dma_semaphore, #tpu.memory_space<semaphore_mem>>)
    %dma_wait3A_322 = arith.constant 13 : i32
    %dma_wait3A_323 = arith.constant 0 : i32
    %dma_wait3A_324 = tpu.memref_slice %arg5[%dma_wait3A_322, %dma_wait3A_323] : memref<16x16xi32, #tpu.memory_space<vmem>> -> memref<1x16xi32, #tpu.memory_space<vmem>>
    %dma_wait3A_325 = tpu.memref_squeeze %dma_wait3A_324 : memref<1x16xi32, #tpu.memory_space<vmem>> -> memref<16xi32, #tpu.memory_space<vmem>>
    %dma_wait3A_326 = arith.constant 0 : i32
    %dma_wait3A_327 = arith.constant 0 : i32
    %dma_wait3A_328 = tpu.memref_slice %arg2[%dma_wait3A_326, %dma_wait3A_327] : memref<8192x1024xf32, #tpu.memory_space<hbm>> -> memref<8192x1024xf32, #tpu.memory_space<hbm>>
    tpu.wait_indirect_dma semaphore(%arg13 : memref<!tpu.dma_semaphore, #tpu.memory_space<semaphore_mem>>) src(%dma_wait3A_328 : memref<8192x1024xf32, #tpu.memory_space<hbm>>) dst(%arg7 : memref<16x1024xf32, #tpu.memory_space<vmem>>)
    %add3A_329 = arith.constant 208 : i32
    %add3A_330 = arith.addi %mul3A_2, %add3A_329 : i32
    %dma_start3A_331 = arith.constant 0 : i32
    %dma_start3A_332 = tpu.memref_slice %arg4[%add3A_330, %dma_start3A_331] : memref<8192x1024xf32, #tpu.memory_space<hbm>> -> memref<16x1024xf32, #tpu.memory_space<hbm>>
    %dma_start3A_333 = arith.constant 0 : i32
    %dma_start3A_334 = tpu.memref_slice %arg4[%add3A_330, %dma_start3A_333] : memref<8192x1024xf32, #tpu.memory_space<hbm>> -> memref<16x1024xf32, #tpu.memory_space<hbm>>
    tpu.enqueue_dma source(%arg7 : memref<16x1024xf32, #tpu.memory_space<vmem>>) target(%dma_start3A_334 : memref<16x1024xf32, #tpu.memory_space<hbm>>) target_semaphore(%arg19 : memref<!tpu.dma_semaphore, #tpu.memory_space<semaphore_mem>>)
    %dma_wait3A_335 = arith.constant 14 : i32
    %dma_wait3A_336 = arith.constant 0 : i32
    %dma_wait3A_337 = tpu.memref_slice %arg5[%dma_wait3A_335, %dma_wait3A_336] : memref<16x16xi32, #tpu.memory_space<vmem>> -> memref<1x16xi32, #tpu.memory_space<vmem>>
    %dma_wait3A_338 = tpu.memref_squeeze %dma_wait3A_337 : memref<1x16xi32, #tpu.memory_space<vmem>> -> memref<16xi32, #tpu.memory_space<vmem>>
    %dma_wait3A_339 = arith.constant 0 : i32
    %dma_wait3A_340 = arith.constant 0 : i32
    %dma_wait3A_341 = tpu.memref_slice %arg2[%dma_wait3A_339, %dma_wait3A_340] : memref<8192x1024xf32, #tpu.memory_space<hbm>> -> memref<8192x1024xf32, #tpu.memory_space<hbm>>
    tpu.wait_indirect_dma semaphore(%arg14 : memref<!tpu.dma_semaphore, #tpu.memory_space<semaphore_mem>>) src(%dma_wait3A_341 : memref<8192x1024xf32, #tpu.memory_space<hbm>>) dst(%arg8 : memref<16x1024xf32, #tpu.memory_space<vmem>>)
    %add3A_342 = arith.constant 224 : i32
    %add3A_343 = arith.addi %mul3A_2, %add3A_342 : i32
    %dma_start3A_344 = arith.constant 0 : i32
    %dma_start3A_345 = tpu.memref_slice %arg4[%add3A_343, %dma_start3A_344] : memref<8192x1024xf32, #tpu.memory_space<hbm>> -> memref<16x1024xf32, #tpu.memory_space<hbm>>
    %dma_start3A_346 = arith.constant 0 : i32
    %dma_start3A_347 = tpu.memref_slice %arg4[%add3A_343, %dma_start3A_346] : memref<8192x1024xf32, #tpu.memory_space<hbm>> -> memref<16x1024xf32, #tpu.memory_space<hbm>>
    tpu.enqueue_dma source(%arg8 : memref<16x1024xf32, #tpu.memory_space<vmem>>) target(%dma_start3A_347 : memref<16x1024xf32, #tpu.memory_space<hbm>>) target_semaphore(%arg20 : memref<!tpu.dma_semaphore, #tpu.memory_space<semaphore_mem>>)
    %dma_wait3A_348 = arith.constant 15 : i32
    %dma_wait3A_349 = arith.constant 0 : i32
    %dma_wait3A_350 = tpu.memref_slice %arg5[%dma_wait3A_348, %dma_wait3A_349] : memref<16x16xi32, #tpu.memory_space<vmem>> -> memref<1x16xi32, #tpu.memory_space<vmem>>
    %dma_wait3A_351 = tpu.memref_squeeze %dma_wait3A_350 : memref<1x16xi32, #tpu.memory_space<vmem>> -> memref<16xi32, #tpu.memory_space<vmem>>
    %dma_wait3A_352 = arith.constant 0 : i32
    %dma_wait3A_353 = arith.constant 0 : i32
    %dma_wait3A_354 = tpu.memref_slice %arg2[%dma_wait3A_352, %dma_wait3A_353] : memref<8192x1024xf32, #tpu.memory_space<hbm>> -> memref<8192x1024xf32, #tpu.memory_space<hbm>>
    tpu.wait_indirect_dma semaphore(%arg15 : memref<!tpu.dma_semaphore, #tpu.memory_space<semaphore_mem>>) src(%dma_wait3A_354 : memref<8192x1024xf32, #tpu.memory_space<hbm>>) dst(%arg9 : memref<16x1024xf32, #tpu.memory_space<vmem>>)
    %add3A_355 = arith.constant 240 : i32
    %add3A_356 = arith.addi %mul3A_2, %add3A_355 : i32
    %dma_start3A_357 = arith.constant 0 : i32
    %dma_start3A_358 = tpu.memref_slice %arg4[%add3A_356, %dma_start3A_357] : memref<8192x1024xf32, #tpu.memory_space<hbm>> -> memref<16x1024xf32, #tpu.memory_space<hbm>>
    %dma_start3A_359 = arith.constant 0 : i32
    %dma_start3A_360 = tpu.memref_slice %arg4[%add3A_356, %dma_start3A_359] : memref<8192x1024xf32, #tpu.memory_space<hbm>> -> memref<16x1024xf32, #tpu.memory_space<hbm>>
    tpu.enqueue_dma source(%arg9 : memref<16x1024xf32, #tpu.memory_space<vmem>>) target(%dma_start3A_360 : memref<16x1024xf32, #tpu.memory_space<hbm>>) target_semaphore(%arg21 : memref<!tpu.dma_semaphore, #tpu.memory_space<semaphore_mem>>)
    %dma_wait3A_361 = arith.constant 0 : i32
    %dma_wait3A_362 = tpu.memref_slice %arg4[%add3A_280, %dma_wait3A_361] : memref<8192x1024xf32, #tpu.memory_space<hbm>> -> memref<16x1024xf32, #tpu.memory_space<hbm>>
    %dma_wait3A_363 = arith.constant 0 : i32
    %dma_wait3A_364 = tpu.memref_slice %arg4[%add3A_280, %dma_wait3A_363] : memref<8192x1024xf32, #tpu.memory_space<hbm>> -> memref<16x1024xf32, #tpu.memory_space<hbm>>
    tpu.wait_dma2 semaphore(%arg22 : memref<!tpu.dma_semaphore, #tpu.memory_space<semaphore_mem>>) src(%arg10 : memref<16x1024xf32, #tpu.memory_space<vmem>>) dst(%dma_wait3A_364 : memref<16x1024xf32, #tpu.memory_space<hbm>>)
    %dma_wait3A_365 = arith.constant 0 : i32
    %dma_wait3A_366 = tpu.memref_slice %arg4[%add3A_304, %dma_wait3A_365] : memref<8192x1024xf32, #tpu.memory_space<hbm>> -> memref<16x1024xf32, #tpu.memory_space<hbm>>
    %dma_wait3A_367 = arith.constant 0 : i32
    %dma_wait3A_368 = tpu.memref_slice %arg4[%add3A_304, %dma_wait3A_367] : memref<8192x1024xf32, #tpu.memory_space<hbm>> -> memref<16x1024xf32, #tpu.memory_space<hbm>>
    tpu.wait_dma2 semaphore(%arg23 : memref<!tpu.dma_semaphore, #tpu.memory_space<semaphore_mem>>) src(%arg11 : memref<16x1024xf32, #tpu.memory_space<vmem>>) dst(%dma_wait3A_368 : memref<16x1024xf32, #tpu.memory_space<hbm>>)
    %dma_wait3A_369 = arith.constant 0 : i32
    %dma_wait3A_370 = tpu.memref_slice %arg4[%add3A_317, %dma_wait3A_369] : memref<8192x1024xf32, #tpu.memory_space<hbm>> -> memref<16x1024xf32, #tpu.memory_space<hbm>>
    %dma_wait3A_371 = arith.constant 0 : i32
    %dma_wait3A_372 = tpu.memref_slice %arg4[%add3A_317, %dma_wait3A_371] : memref<8192x1024xf32, #tpu.memory_space<hbm>> -> memref<16x1024xf32, #tpu.memory_space<hbm>>
    tpu.wait_dma2 semaphore(%arg18 : memref<!tpu.dma_semaphore, #tpu.memory_space<semaphore_mem>>) src(%arg6 : memref<16x1024xf32, #tpu.memory_space<vmem>>) dst(%dma_wait3A_372 : memref<16x1024xf32, #tpu.memory_space<hbm>>)
    %dma_wait3A_373 = arith.constant 0 : i32
    %dma_wait3A_374 = tpu.memref_slice %arg4[%add3A_330, %dma_wait3A_373] : memref<8192x1024xf32, #tpu.memory_space<hbm>> -> memref<16x1024xf32, #tpu.memory_space<hbm>>
    %dma_wait3A_375 = arith.constant 0 : i32
    %dma_wait3A_376 = tpu.memref_slice %arg4[%add3A_330, %dma_wait3A_375] : memref<8192x1024xf32, #tpu.memory_space<hbm>> -> memref<16x1024xf32, #tpu.memory_space<hbm>>
    tpu.wait_dma2 semaphore(%arg19 : memref<!tpu.dma_semaphore, #tpu.memory_space<semaphore_mem>>) src(%arg7 : memref<16x1024xf32, #tpu.memory_space<vmem>>) dst(%dma_wait3A_376 : memref<16x1024xf32, #tpu.memory_space<hbm>>)
    %dma_wait3A_377 = arith.constant 0 : i32
    %dma_wait3A_378 = tpu.memref_slice %arg4[%add3A_343, %dma_wait3A_377] : memref<8192x1024xf32, #tpu.memory_space<hbm>> -> memref<16x1024xf32, #tpu.memory_space<hbm>>
    %dma_wait3A_379 = arith.constant 0 : i32
    %dma_wait3A_380 = tpu.memref_slice %arg4[%add3A_343, %dma_wait3A_379] : memref<8192x1024xf32, #tpu.memory_space<hbm>> -> memref<16x1024xf32, #tpu.memory_space<hbm>>
    tpu.wait_dma2 semaphore(%arg20 : memref<!tpu.dma_semaphore, #tpu.memory_space<semaphore_mem>>) src(%arg8 : memref<16x1024xf32, #tpu.memory_space<vmem>>) dst(%dma_wait3A_380 : memref<16x1024xf32, #tpu.memory_space<hbm>>)
    %dma_wait3A_381 = arith.constant 0 : i32
    %dma_wait3A_382 = tpu.memref_slice %arg4[%add3A_356, %dma_wait3A_381] : memref<8192x1024xf32, #tpu.memory_space<hbm>> -> memref<16x1024xf32, #tpu.memory_space<hbm>>
    %dma_wait3A_383 = arith.constant 0 : i32
    %dma_wait3A_384 = tpu.memref_slice %arg4[%add3A_356, %dma_wait3A_383] : memref<8192x1024xf32, #tpu.memory_space<hbm>> -> memref<16x1024xf32, #tpu.memory_space<hbm>>
    tpu.wait_dma2 semaphore(%arg21 : memref<!tpu.dma_semaphore, #tpu.memory_space<semaphore_mem>>) src(%arg9 : memref<16x1024xf32, #tpu.memory_space<vmem>>) dst(%dma_wait3A_384 : memref<16x1024xf32, #tpu.memory_space<hbm>>)
    return
  }
}

</mosaic_0001>

<sc_bundles>
// kernel: kernel.3.cloned.1.call-start
scs
__scs_entry_jumppad:
0x0: {  	(pc) =	sbr.rel $0x88, $3  }
0x1: {  	(tag) =	ssettag $0x0;
	lr =	simm.s32 $0x1  }
0x2: {  	[smem:$0x3F9F] =	sst lr;
	_ =	strace $0xD0000000  }
0x3: {  	_ = 	snop  }
0x4: {  	_ = 	snop  }
0x5: {  	_ = 	snop  }
0x6: {  	_ = 	snop  }
0x7: {  	_ = 	snop  }
__scs_overlays_trampoline_lowered:
0x8: {  	[smem:$0x3FAE] =	sst s0  }
0x9: {  	[smem:$0x3FAF] =	sst s1  }
0xa: {  	[smem:$0x3FB0] =	sst s2  }
0xb: {  	[smem:$0x3FB1] =	sst s3  }
0xc: {  	[smem:$0x3FB2] =	sst s4  }
0xd: {  	[smem:$0x3FB3] =	sst s5  }
0xe: {  	[smem:$0x3FB4] =	sst s6  }
0xf: {  	[smem:$0x3FB5] =	sst s7  }
0x10: {  	[smem:$0x3FB6] =	sst s8  }
0x11: {  	[smem:$0x3FB7] =	sst s9;
	s0 =	simm.s32 @!p0 $0x0  }
0x12: {  	s1 =	sld [smem:$0x3F9D];
	s0 =	simm.s32 @p0 $0x1  }
0x13: {  	[smem:$0x3FB8] =	sst s0;
	s0 =	simm.s32 @!p1 $0x0  }
0x14: {  	s2 =	sld [smem:$0x3F9C];
	s0 =	simm.s32 @p1 $0x1  }
0x15: {  	[smem:$0x3FB9] =	sst s0;
	s0 =	simm.s32 @!p2 $0x0  }
0x16: {  	s3 =	sld [smem:$0x3FDB];
	s0 =	simm.s32 @p2 $0x1  }
0x17: {  	s4 =	simm.s32 $0x1BF5;
	[smem:$0x3FBB] =	sst s0  }
0x18: {  	s0 =	sld [smem:$0x3F9E];
	_ =	swait.ge [sflag:s4], $0x0  }
0x19: {  	s7 =	sld [smem:$0x3F9F]  }
0x1a: {  	s8 =	sadd.s32 $0xFFFFE003, lr  }
0x1b: {  	s9 =	sadd.s32 $0xFFFFFEF7, lr;
	s5 =	simm.s32 $0xFFFFFFFF;
	p2 =	slt.u32 s8, $0xFFFFF086  }
0x1c: {  	p1 =	slt.u32 s9, $0xF7A;
	s5 =	simm.s32 @!p2 $0x0  }
0x1d: {  	s5 =	simm.s32 @p1 $0x1;
	p0 =	seq.s32 s7, s2  }
0x1e: {  	s7 =	smul.u32 @!p0 $0xF7A, s2;
	p2 =	seq.s32 @!p0 s5, $0x0  }
0x1f: {  	s9 =	smul.u32 $0xF7A, s1;
	s8 =	simm.s32 @!p0 $0x1BF5;
	p2 =	por !p2, p0  }
0x20: {  	[sflag:s8] =	ssyncset.s32 @!p0 $0xFFFFF086;
	s6 =	sadd.s32 @!p0 s3, s7;
	s7 =	simm.s32 @!p0 $0x108  }
0x21: {  	s3 =	sadd.s32 s3, s9;
	s6 =	sadd.s32 @!p0 $0x88, s6;
	s7 =	simm.s32 @p2 $0x1082  }
0x22: {  	[simem:s7], [sflag:s8] =	dma.local @!p0 [hbm:s6], $0xF7A  }
0x23: {  	s9 =	sor.u32 $0xD0000000, s2;
	s6 =	simm.s32 $0x108;
	_ =	swait.ge @!p0 [sflag:s8], $0x0  }
0x24: {  	s3 =	sadd.s32 $0x88, s3;
	s6 =	simm.s32 @!p1 $0x1082;
	[sflag:s4] =	ssyncset.s32 $0xFFFFF086  }
0x25: {  	[simem:s6], [sflag:s4] =	dma.local [hbm:s3], $0xF7A  }
0x26: {  	[smem:$0x3F9F] =	sst s1;
	(tag) =	ssettag s2;
	_ =	strace s9  }
0x27: {  	s1 =	sld [smem:$0x3FAF]  }
0x28: {  	s2 =	sld [smem:$0x3FB0]  }
0x29: {  	s4 =	sld [smem:$0x3FB2]  }
0x2a: {  	p0 =	seq.s32 s5, $0x0;
	s5 =	sld [smem:$0x3FB3]  }
0x2b: {  	s6 =	sld [smem:$0x3FB4]  }
0x2c: {  	s7 =	sld [smem:$0x3FB5]  }
0x2d: {  	s3 =	simm.s32 $0x108;
	s8 =	sld [smem:$0x3FB6]  }
0x2e: {  	s3 =	simm.s32 @!p0 $0x1082;
	s9 =	sld [smem:$0x3FB7]  }
0x2f: {  	lr =	sadd.s32 s0, s3;
	s0 =	sld [smem:$0x3FAE]  }
0x30: {  	s3 =	sld [smem:$0x3FB1]  }
0x31: {  	[smem:$0x3FBA] =	sst s10  }
0x32: {  	s10 =	sld [smem:$0x3FB8];
	_ =	sdelay $0x3  }
0x33: {  	p0 =	seq.s32 s10, $0x1;
	s10 =	sld [smem:$0x3FBA];
	_ =	sdelay $0x3  }
0x34: {  	[smem:$0x3FBA] =	sst s10  }
0x35: {  	s10 =	sld [smem:$0x3FB9];
	_ =	sdelay $0x3  }
0x36: {  	p1 =	seq.s32 s10, $0x1;
	s10 =	sld [smem:$0x3FBA];
	_ =	sdelay $0x3  }
0x37: {  	[smem:$0x3FBA] =	sst s10  }
0x38: {  	s10 =	sld [smem:$0x3FBB]  }
0x39: {  	_ = 	snop;
	(pc) =	sbr.ind lr, $3  }
0x3a: {  	_ = 	snop  }
0x3b: {  	_ = 	snop  }
0x3c: {  	p2 =	seq.s32 s10, $0x1;
	s10 =	sld [smem:$0x3FBA]  }
0x3d: {  	_ =	shalt  }
0x3e: {  	_ =	shalt  }
0x3f: {  	_ =	shalt  }
0x40: {  	_ =	shalt  }
0x41: {  	_ =	shalt  }
0x42: {  	_ =	shalt  }
0x43: {  	_ =	shalt  }
0x44: {  	_ =	shalt  }
0x45: {  	_ =	shalt  }
0x46: {  	_ =	shalt  }
0x47: {  	_ =	shalt  }
0x48: {  	_ =	shalt  }
0x49: {  	_ =	shalt  }
0x4a: {  	_ =	shalt  }
0x4b: {  	_ =	shalt  }
0x4c: {  	_ =	shalt  }
0x4d: {  	_ =	shalt  }
0x4e: {  	_ =	shalt  }
0x4f: {  	_ =	shalt  }
0x50: {  	_ =	shalt  }
0x51: {  	_ =	shalt  }
0x52: {  	_ =	shalt  }
0x53: {  	_ =	shalt  }
0x54: {  	_ =	shalt  }
0x55: {  	_ =	shalt  }
0x56: {  	_ =	shalt  }
0x57: {  	_ =	shalt  }
0x58: {  	_ =	shalt  }
0x59: {  	_ =	shalt  }
0x5a: {  	_ =	shalt  }
0x5b: {  	_ =	shalt  }
0x5c: {  	_ =	shalt  }
0x5d: {  	_ =	shalt  }
0x5e: {  	_ =	shalt  }
0x5f: {  	_ =	shalt  }
0x60: {  	_ =	shalt  }
0x61: {  	_ =	shalt  }
0x62: {  	_ =	shalt  }
0x63: {  	_ =	shalt  }
0x64: {  	_ =	shalt  }
0x65: {  	_ =	shalt  }
0x66: {  	_ =	shalt  }
0x67: {  	_ =	shalt  }
0x68: {  	_ =	shalt  }
0x69: {  	_ =	shalt  }
0x6a: {  	_ =	shalt  }
0x6b: {  	_ =	shalt  }
0x6c: {  	_ =	shalt  }
0x6d: {  	_ =	shalt  }
0x6e: {  	_ =	shalt  }
0x6f: {  	_ =	shalt  }
0x70: {  	_ =	shalt  }
0x71: {  	_ =	shalt  }
0x72: {  	_ =	shalt  }
0x73: {  	_ =	shalt  }
0x74: {  	_ =	shalt  }
0x75: {  	_ =	shalt  }
0x76: {  	_ =	shalt  }
0x77: {  	_ =	shalt  }
0x78: {  	_ =	shalt  }
0x79: {  	_ =	shalt  }
0x7a: {  	_ =	shalt  }
0x7b: {  	_ =	shalt  }
0x7c: {  	_ =	shalt  }
0x7d: {  	_ =	shalt  }
0x7e: {  	_ =	shalt  }
0x7f: {  	_ =	shalt  }
0x80: {  	_ =	shalt  }
0x81: {  	_ =	shalt  }
0x82: {  	_ =	shalt  }
0x83: {  	_ =	shalt  }
0x84: {  	_ =	shalt  }
0x85: {  	_ =	shalt  }
0x86: {  	_ =	shalt  }
0x87: {  	_ =	shalt  }
.Lfunc_end0:
.L_simem_size_0:
called_computation_lowered:
.L_overlay_start_0:
0x88: {  	s2 =	sld [smem:$0x3FD9]  }
0x89: {  	s3 =	sld [smem:$0x3FFE];
	_ =	sdelay $0x1  }
0x8a: {  	s1 =	srdreg.scid  }
0x8b: {  	s0 =	sand.u32 $0x1, s1  }
0x8c: {  	s17 =	sshll.u32 s0, $0xA;
	s2 =	sadd.s32 s3, s2  }
0x8d: {  	s2 =	sadd.s32 s2, s17  }
0x8e: {  	[smem:$0x3FC6] =	sst s2  }
0x8f: {  	_ = 	snop  }
0x90: {  	s2 =	sld [smem:$0x3FC8]  }
0x91: {  	s18 =	sld [smem:$0x3FD0];
	(tm) =	ssettm $0x1  }
0x92: {  	s4 =	sld [smem:$0x3FFB];
	_ =	sdelay $0x3  }
0x93: {  	_ =	strace s4  }
0x94: {  	s4 =	sld [smem:$0x3FFC];
	_ =	sdelay $0x3  }
0x95: {  	_ =	strace s4  }
0x96: {  	s4 =	sld [smem:$0x3FFD];
	_ =	sdelay $0x3  }
0x97: {  	_ =	strace s4  }
0x98: {  	_ =	strace $0x8FFFFFFF  }
0x99: {  	s19 =	sld [smem:$0x3FDB];
	_ =	sdelay $0x1  }
0x9a: {  	s5 =	simm.s32 $_scs_section_size  }
0x9b: {  	s6 =	simm.s32 $_size__tile_overlayer_lowered;
	s7 =	simm.s32 $_tile_overlayer_lowered  }
0x9c: {  	s22 =	simm.s32 $0x1BFF;
	s21 =	sshll.u32 s7, $0x1;
	s4 =	sadd.s32 s5, s19  }
0x9d: {  	s8 =	simm.s32 $0x0;
	s20 =	sshll.u32 s6, $0x1;
	s6 =	sadd.s32 s21, s4  }
0x9e: {  	[timem:s8], [sflag:s22] =	dma.local [hbm:s6], s20  }
0x9f: {  	_ =	swait.ge [sflag:s22], s20  }
0xa0: {  	s5 =	ssub.s32 $0x0, s20;
	[sflag:s22] =	ssyncset.done $0x0  }
0xa1: {  	[sflag:s22] =	ssyncadd.s32 s5;
	_ =	sdelay $0x1  }
0xa2: {  	s23 =	simm.s32 $0x1B8B  }
0xa3: {  	_ =	swait.ge [sflag:s23], $0x1  }
0xa4: {  	[sflag:s23] =	ssyncset.done $0x0  }
0xa5: {  	s25 =	simm.s32 $0x1B8E;
	s24 =	sld [smem:$0x3FFE];
	[sflag:s23] =	ssyncadd.s32 $0xFFFFFFFF  }
0xa6: {  	s26 =	simm.s32 $execute0_lowered;
	[smem:$0x3FD2] =	sst s25  }
0xa7: {  	s6 =	sshll.u32 s26, $0x1;
	_ =	strace $0x80000046;
	[dreg:$0x1] =	wrdreg $0xFFFFFFFF  }
0xa8: {  	s28 =	simm.s32 $_size_execute0_lowered;
	s4 =	sadd.s32 s4, s6;
	[dreg:$0x0] =	wrdreg $0x0  }
0xa9: {  	s6 =	sshll.u32 s28, $0x1;
	[dreg:$0x2] =	wrdreg s4  }
0xaa: {  	[dreg:$0x3] =	wrdreg s6  }
0xab: {  	[dreg:$0x4] =	wrdreg $0xC0  }
0xac: {  	_ =	task [dreg:s8], $0x5FFFF  }
0xad: {  	[dreg:$0x1] =	wrdreg $0xFFFFFFFF  }
0xae: {  	[dreg:$0x0] =	wrdreg $0x60  }
0xaf: {  	[dreg:$0x2] =	wrdreg s2  }
0xb0: {  	[dreg:$0x3] =	wrdreg s24  }
0xb1: {  	[dreg:$0x4] =	wrdreg s18  }
0xb2: {  	[dreg:$0x5] =	wrdreg $0x9  }
0xb3: {  	_ =	task.clear_ibuf [dreg:s8], $0x6FFFF;
	_ =	strace $0x90000046  }
0xb4: {  	s29 =	simm.s32 $0x9;
	_ =	strace $0x80000048  }
0xb5: {  	_ =	swait.ge [sflag:s29], $0x1  }
0xb6: {  	[sflag:s29] =	ssyncadd.s32 $0xFFFFFFFF  }
0xb7: {  	_ =	strace $0x90000048  }
0xb8: {  	_ =	sfence  }
0xb9: {  	s30 =	sld [smem:$0x0];
	_ =	sdelay $0x2  }
0xba: {  	s31 =	sshll.u32 s1, $0xD;
	s1 =	sshrl.u32 s1, $0x2  }
0xbb: {  	s3 =	sand.u32 $0x4000, s31;
	s1 =	sadd.s32 s1, s30  }
0xbc: {  	s0 =	sor.u32 s3, s0;
	s1 =	sshll.u32 s1, $0x11  }
0xbd: {  	s0 =	sor.u32 s1, s0  }
0xbe: {  	s0 =	sadd.s32 $0x8F2B, s0  }
0xbf: {  	[sflag:s0] =	ssyncadd.remote.s32 $0x1  }
0xc0: {  	_ =	sfence.sel $0xFFFF  }
0xc1: {  	[dreg:$0x0] =	wrdreg $0xFFFFFFFF;
	(pc) =	sbr.abs _section_cstart, $3  }
0xc2: {  	[dreg:$0x1] =	wrdreg $0xFFFFFFFF  }
0xc3: {  	_ =	task.clear_ibuf [dreg:s8], $0x2FFFF;
	_ =	strace $0x9FFFFFFF  }
0xc4: {  	(tm) =	ssettm $0x7FFFFFFF  }
0xc5: {  	_ =	shalt  }
tec
execute0_lowered:
.L_overlay_start_1:
0x0: {  	(tag) =	ssettag $0x1  }
0x1: {  	s1 =	rddreg [dreg:$0x0]  }
0x2: {  	s0 =	srdreg.scid;
	s3 =	stileid.u32  }
0x3: {  	s2 =	rddreg [dreg:$0x1];
	s0 =	sand.u32 $0x1, s0;
	s3 =	sshll.u32 s3, $0x1  }
0x4: {  	s4 =	rddreg [dreg:$0x2];
	s5 =	sor.u32 s0, s3  }
0x5: {  	s3 =	simm.s32 $0x0;
	s6 =	sshll.u32 s5, $0x8;
	s5 =	sshll.u32 s5, $0xF  }
0x6: {  	[smem:$0x7FF] =	sst s3;
	s2 =	sadd.s32 s6, s2;
	s8 =	sadd.s32 s4, s5  }
0x7: {  	_ =	strace $0x80000047;
	s2 =	sadd.s32 $0x400, s2;
	[dreg:$0x14] =	wrdreg s8  }
0x8: {  	s11 =	sadd.s32 $0x800, s8;
	[dreg:$0x4] =	wrdreg s2  }
0x9: {  	s12 =	sadd.s32 $0x1000, s8;
	[dreg:$0x5] =	wrdreg s11  }
0xa: {  	s28 =	simm.s32 $0x4;
	s13 =	sadd.s32 $0x1800, s8;
	[dreg:$0x6] =	wrdreg s12  }
0xb: {  	s29 =	simm.s32 $0x9;
	s14 =	sadd.s32 $0x2000, s8;
	[dreg:$0x7] =	wrdreg s13  }
0xc: {  	s31 =	simm.s32 $0xA;
	s15 =	sadd.s32 $0x2800, s8;
	[dreg:$0x8] =	wrdreg s14  }
0xd: {  	s30 =	simm.s32 $0x8800;
	s16 =	sadd.s32 $0x3000, s8;
	[dreg:$0x9] =	wrdreg s15  }
0xe: {  	s9 =	simm.s32 $0xC800;
	s17 =	sadd.s32 $0x3800, s8;
	[dreg:$0xa] =	wrdreg s16  }
0xf: {  	s10 =	simm.s32 $0x10800;
	s18 =	sadd.s32 $0x4000, s8;
	[dreg:$0xb] =	wrdreg s17  }
0x10: {  	s7 =	sadd.s32 $0x300, s1;
	s19 =	sadd.s32 $0x4800, s8;
	[dreg:$0xc] =	wrdreg s18  }
0x11: {  	s0 =	ssub.s32 $0x2, s0;
	s20 =	sadd.s32 $0x5000, s8;
	[dreg:$0xd] =	wrdreg s19  }
0x12: {  	s21 =	sshrl.u32 s0, $0x1;
	s22 =	sadd.s32 $0x5800, s8;
	[dreg:$0xe] =	wrdreg s20  }
0x13: {  	s0 =	ssub.s32 s0, s21;
	s23 =	sadd.s32 $0x6000, s8;
	[dreg:$0xf] =	wrdreg s22  }
0x14: {  	s5 =	sadd.s32 $0x100, s1;
	s24 =	sadd.s32 $0x6800, s8;
	[dreg:$0x10] =	wrdreg s23  }
0x15: {  	s6 =	sadd.s32 $0x200, s1;
	s25 =	sadd.s32 $0x7000, s8;
	[dreg:$0x11] =	wrdreg s24  }
0x16: {  	s21 =	simm.s32 $0x11000;
	s26 =	sadd.s32 $0x7800, s8;
	[dreg:$0x12] =	wrdreg s25  }
0x17: {  	s8 =	smax.u32 s0, $0x1;
	[dreg:$0x13] =	wrdreg s26;
	s20 =	simm.s32 $0x1  }
0x18: {  	s22 =	simm.s32 $0x2;
	s23 =	simm.s32 $0x7;
	s24 =	simm.s32 $0x3  }
0x19: {  	v2 =	vlaneseq.u32;
	s25 =	simm.s32 $0x8;
	s18 =	simm.s32 $0x800;
	s26 =	simm.s32 $0x4800  }
0x1a: {  	vm0 =	vmmov $0xffff;
	v1 =	vshrl.u32 v2, $0x3;
	s16 =	simm.s32 $0x11800;
	s17 =	simm.s32 $0x12000;
	s13 =	simm.s32 $0x13000  }
0x1b: {  	v0 =	vand.u32 $0x7, v2;
	v2 =	vor.u32 $0x8, v2;
	v1 =	vmul.u32 $0x8, v1;
	s14 =	simm.s32 $0x13800;
	s15 =	simm.s32 $0x14000;
	s19 =	simm.s32 $0x14800  }
.LBB2_1:
0x1c: {  	s11 =	rddreg [dreg:$0x4];
	s4 =	simm.s32 $0xD  }
0x1d: {  	[tilespmem:s3], [sflag:$0xD] =	stream.linear.gather [hbm4b:s11+s3], $0x800, $0x38;
	[tilespmem:$0x18800] =	vst v63  }
0x1e: {  	_ =	swait.ge [sflag:s4], $0x800  }
0x1f: {  	[sflag:s4] =	ssyncset.done $0x0  }
0x20: {  	[sflag:s4] =	ssyncadd.s32 $0xFFFFF800  }
0x21: {  	v3 =	vld [tilespmem:$0x0];
	_ =	sdelay $0x4  }
0x22: {  	v4 =	vshll.u32 v3, $0x3  }
0x23: {  	v3 =	vand.u32 $0x7, v3;
	v4 =	vand.u32 $0xFFFFFFC0, v4  }
0x24: {  	v3 =	vor.u32 v3, v4  }
0x25: {  	v4 =	vperm.xlane v3, v0;
	_ =	sdelay $0x1  }
0x26: {  	v4 =	vadd.s32 v1, v4;
	_ =	sdelay $0x4  }
0x27: {  	[tilespmem:s18], [sflag:$0x1] =	stream.indirect_vreg.gather [hbm4b:s1+s3], $0x80, v4, vm0, $0xb8;
	[tilespmem:$0x18800] =	vst v63  }
0x28: {  	s0 =	simm.s32 $0x1000;
	v3 =	vperm.xlane v3, v2  }
0x29: {  	[tilespmem:s0], [sflag:$0x1] =	stream.indirect_vreg.gather [hbm4b:s5+s3], $0x80, v4, vm0, $0xb8;
	[tilespmem:$0x18800] =	vst v63  }
0x2a: {  	s12 =	simm.s32 $0x1800;
	v3 =	vadd.s32 v1, v3  }
0x2b: {  	[tilespmem:s12], [sflag:$0x1] =	stream.indirect_vreg.gather [hbm4b:s6+s3], $0x80, v4, vm0, $0xb8;
	[tilespmem:$0x18800] =	vst v63  }
0x2c: {  	s4 =	simm.s32 $0x2000  }
0x2d: {  	[tilespmem:s4], [sflag:$0x1] =	stream.indirect_vreg.gather [hbm4b:s7+s3], $0x80, v4, vm0, $0xb8;
	[tilespmem:$0x18800] =	vst v63  }
0x2e: {  	s11 =	simm.s32 $0x2800  }
0x2f: {  	[tilespmem:s11], [sflag:$0x1] =	stream.indirect_vreg.gather [hbm4b:s1+s3], $0x80, v3, vm0, $0xb8;
	[tilespmem:$0x18800] =	vst v63  }
0x30: {  	s12 =	simm.s32 $0x3000  }
0x31: {  	[tilespmem:s12], [sflag:$0x1] =	stream.indirect_vreg.gather [hbm4b:s5+s3], $0x80, v3, vm0, $0xb8;
	[tilespmem:$0x18800] =	vst v63  }
0x32: {  	s4 =	simm.s32 $0x3800  }
0x33: {  	[tilespmem:s4], [sflag:$0x1] =	stream.indirect_vreg.gather [hbm4b:s6+s3], $0x80, v3, vm0, $0xb8;
	[tilespmem:$0x18800] =	vst v63  }
0x34: {  	s11 =	simm.s32 $0x4000  }
0x35: {  	[tilespmem:s11], [sflag:$0x1] =	stream.indirect_vreg.gather [hbm4b:s7+s3], $0x80, v3, vm0, $0xb8;
	[tilespmem:$0x18800] =	vst v63  }
0x36: {  	v3 =	vld [tilespmem:$0x80];
	_ =	sdelay $0x4  }
0x37: {  	v49 =	vshll.u32 v3, $0x3  }
0x38: {  	v3 =	vand.u32 $0x7, v3;
	v4 =	vand.u32 $0xFFFFFFC0, v49  }
0x39: {  	v3 =	vor.u32 v3, v4  }
0x3a: {  	v4 =	vperm.xlane v3, v0;
	_ =	sdelay $0x1  }
0x3b: {  	v4 =	vadd.s32 v1, v4;
	_ =	sdelay $0x4  }
0x3c: {  	[tilespmem:s26], [sflag:$0x2] =	stream.indirect_vreg.gather [hbm4b:s1+s3], $0x80, v4, vm0, $0xb8;
	[tilespmem:$0x18800] =	vst v63  }
0x3d: {  	s12 =	simm.s32 $0x5000;
	v3 =	vperm.xlane v3, v2  }
0x3e: {  	[tilespmem:s12], [sflag:$0x2] =	stream.indirect_vreg.gather [hbm4b:s5+s3], $0x80, v4, vm0, $0xb8;
	[tilespmem:$0x18800] =	vst v63  }
0x3f: {  	s11 =	simm.s32 $0x5800;
	v3 =	vadd.s32 v1, v3  }
0x40: {  	[tilespmem:s11], [sflag:$0x2] =	stream.indirect_vreg.gather [hbm4b:s6+s3], $0x80, v4, vm0, $0xb8;
	[tilespmem:$0x18800] =	vst v63  }
0x41: {  	s12 =	simm.s32 $0x6000  }
0x42: {  	[tilespmem:s12], [sflag:$0x2] =	stream.indirect_vreg.gather [hbm4b:s7+s3], $0x80, v4, vm0, $0xb8;
	[tilespmem:$0x18800] =	vst v63  }
0x43: {  	s11 =	simm.s32 $0x6800  }
0x44: {  	[tilespmem:s11], [sflag:$0x2] =	stream.indirect_vreg.gather [hbm4b:s1+s3], $0x80, v3, vm0, $0xb8;
	[tilespmem:$0x18800] =	vst v63  }
0x45: {  	s12 =	simm.s32 $0x7000  }
0x46: {  	[tilespmem:s12], [sflag:$0x2] =	stream.indirect_vreg.gather [hbm4b:s5+s3], $0x80, v3, vm0, $0xb8;
	[tilespmem:$0x18800] =	vst v63  }
0x47: {  	s11 =	simm.s32 $0x7800  }
0x48: {  	[tilespmem:s11], [sflag:$0x2] =	stream.indirect_vreg.gather [hbm4b:s6+s3], $0x80, v3, vm0, $0xb8;
	[tilespmem:$0x18800] =	vst v63  }
0x49: {  	s12 =	simm.s32 $0x8000  }
0x4a: {  	[tilespmem:s12], [sflag:$0x2] =	stream.indirect_vreg.gather [hbm4b:s7+s3], $0x80, v3, vm0, $0xb8;
	[tilespmem:$0x18800] =	vst v63  }
0x4b: {  	v3 =	vld [tilespmem:$0x100];
	_ =	sdelay $0x4  }
0x4c: {  	v50 =	vshll.u32 v3, $0x3  }
0x4d: {  	v3 =	vand.u32 $0x7, v3;
	v4 =	vand.u32 $0xFFFFFFC0, v50  }
0x4e: {  	v3 =	vor.u32 v3, v4  }
0x4f: {  	v4 =	vperm.xlane v3, v0;
	_ =	sdelay $0x1  }
0x50: {  	v4 =	vadd.s32 v1, v4;
	_ =	sdelay $0x4  }
0x51: {  	[tilespmem:s30], [sflag:$0x3] =	stream.indirect_vreg.gather [hbm4b:s1+s3], $0x80, v4, vm0, $0xb8;
	[tilespmem:$0x18800] =	vst v63  }
0x52: {  	s11 =	simm.s32 $0x9000;
	v3 =	vperm.xlane v3, v2  }
0x53: {  	[tilespmem:s11], [sflag:$0x3] =	stream.indirect_vreg.gather [hbm4b:s5+s3], $0x80, v4, vm0, $0xb8;
	[tilespmem:$0x18800] =	vst v63  }
0x54: {  	s12 =	simm.s32 $0x9800;
	v3 =	vadd.s32 v1, v3  }
0x55: {  	[tilespmem:s12], [sflag:$0x3] =	stream.indirect_vreg.gather [hbm4b:s6+s3], $0x80, v4, vm0, $0xb8;
	[tilespmem:$0x18800] =	vst v63  }
0x56: {  	s11 =	simm.s32 $0xA000  }
0x57: {  	[tilespmem:s11], [sflag:$0x3] =	stream.indirect_vreg.gather [hbm4b:s7+s3], $0x80, v4, vm0, $0xb8;
	[tilespmem:$0x18800] =	vst v63  }
0x58: {  	s12 =	simm.s32 $0xA800  }
0x59: {  	[tilespmem:s12], [sflag:$0x3] =	stream.indirect_vreg.gather [hbm4b:s1+s3], $0x80, v3, vm0, $0xb8;
	[tilespmem:$0x18800] =	vst v63  }
0x5a: {  	s11 =	simm.s32 $0xB000  }
0x5b: {  	[tilespmem:s11], [sflag:$0x3] =	stream.indirect_vreg.gather [hbm4b:s5+s3], $0x80, v3, vm0, $0xb8;
	[tilespmem:$0x18800] =	vst v63  }
0x5c: {  	s12 =	simm.s32 $0xB800  }
0x5d: {  	[tilespmem:s12], [sflag:$0x3] =	stream.indirect_vreg.gather [hbm4b:s6+s3], $0x80, v3, vm0, $0xb8;
	[tilespmem:$0x18800] =	vst v63  }
0x5e: {  	s11 =	simm.s32 $0xC000  }
0x5f: {  	[tilespmem:s11], [sflag:$0x3] =	stream.indirect_vreg.gather [hbm4b:s7+s3], $0x80, v3, vm0, $0xb8;
	[tilespmem:$0x18800] =	vst v63  }
0x60: {  	v3 =	vld [tilespmem:$0x180];
	_ =	sdelay $0x4  }
0x61: {  	v51 =	vshll.u32 v3, $0x3  }
0x62: {  	v3 =	vand.u32 $0x7, v3;
	v4 =	vand.u32 $0xFFFFFFC0, v51  }
0x63: {  	v3 =	vor.u32 v3, v4  }
0x64: {  	v4 =	vperm.xlane v3, v0;
	_ =	sdelay $0x1  }
0x65: {  	v4 =	vadd.s32 v1, v4;
	_ =	sdelay $0x4  }
0x66: {  	[tilespmem:s9], [sflag:$0x4] =	stream.indirect_vreg.gather [hbm4b:s1+s3], $0x80, v4, vm0, $0xb8;
	[tilespmem:$0x18800] =	vst v63  }
0x67: {  	s12 =	simm.s32 $0xD000;
	v3 =	vperm.xlane v3, v2  }
0x68: {  	[tilespmem:s12], [sflag:$0x4] =	stream.indirect_vreg.gather [hbm4b:s5+s3], $0x80, v4, vm0, $0xb8;
	[tilespmem:$0x18800] =	vst v63  }
0x69: {  	s11 =	simm.s32 $0xD800;
	v3 =	vadd.s32 v1, v3  }
0x6a: {  	[tilespmem:s11], [sflag:$0x4] =	stream.indirect_vreg.gather [hbm4b:s6+s3], $0x80, v4, vm0, $0xb8;
	[tilespmem:$0x18800] =	vst v63  }
0x6b: {  	s12 =	simm.s32 $0xE000  }
0x6c: {  	[tilespmem:s12], [sflag:$0x4] =	stream.indirect_vreg.gather [hbm4b:s7+s3], $0x80, v4, vm0, $0xb8;
	[tilespmem:$0x18800] =	vst v63  }
0x6d: {  	s11 =	simm.s32 $0xE800  }
0x6e: {  	[tilespmem:s11], [sflag:$0x4] =	stream.indirect_vreg.gather [hbm4b:s1+s3], $0x80, v3, vm0, $0xb8;
	[tilespmem:$0x18800] =	vst v63  }
0x6f: {  	s12 =	simm.s32 $0xF000  }
0x70: {  	[tilespmem:s12], [sflag:$0x4] =	stream.indirect_vreg.gather [hbm4b:s5+s3], $0x80, v3, vm0, $0xb8;
	[tilespmem:$0x18800] =	vst v63  }
0x71: {  	s11 =	simm.s32 $0xF800  }
0x72: {  	[tilespmem:s11], [sflag:$0x4] =	stream.indirect_vreg.gather [hbm4b:s6+s3], $0x80, v3, vm0, $0xb8;
	[tilespmem:$0x18800] =	vst v63  }
0x73: {  	s12 =	simm.s32 $0x10000  }
0x74: {  	[tilespmem:s12], [sflag:$0x4] =	stream.indirect_vreg.gather [hbm4b:s7+s3], $0x80, v3, vm0, $0xb8;
	[tilespmem:$0x18800] =	vst v63  }
0x75: {  	v3 =	vld [tilespmem:$0x200];
	_ =	sdelay $0x4  }
0x76: {  	v52 =	vshll.u32 v3, $0x3  }
0x77: {  	v3 =	vand.u32 $0x7, v3;
	v4 =	vand.u32 $0xFFFFFFC0, v52  }
0x78: {  	v3 =	vor.u32 v3, v4  }
0x79: {  	v4 =	vperm.xlane v3, v0;
	_ =	sdelay $0x1  }
0x7a: {  	v4 =	vadd.s32 v1, v4;
	_ =	sdelay $0x4  }
0x7b: {  	[tilespmem:s10], [sflag:$0x5] =	stream.indirect_vreg.gather [hbm4b:s1+s3], $0x80, v4, vm0, $0xb8;
	[tilespmem:$0x18800] =	vst v63  }
0x7c: {  	v3 =	vperm.xlane v3, v2  }
0x7d: {  	[tilespmem:s21], [sflag:$0x5] =	stream.indirect_vreg.gather [hbm4b:s5+s3], $0x80, v4, vm0, $0xb8;
	[tilespmem:$0x18800] =	vst v63  }
0x7e: {  	v3 =	vadd.s32 v1, v3  }
0x7f: {  	[tilespmem:s16], [sflag:$0x5] =	stream.indirect_vreg.gather [hbm4b:s6+s3], $0x80, v4, vm0, $0xb8;
	[tilespmem:$0x18800] =	vst v63  }
0x80: {  	_ = 	snop  }
0x81: {  	[tilespmem:s17], [sflag:$0x5] =	stream.indirect_vreg.gather [hbm4b:s7+s3], $0x80, v4, vm0, $0xb8;
	[tilespmem:$0x18800] =	vst v63  }
0x82: {  	s12 =	simm.s32 $0x12800  }
0x83: {  	[tilespmem:s12], [sflag:$0x5] =	stream.indirect_vreg.gather [hbm4b:s1+s3], $0x80, v3, vm0, $0xb8;
	[tilespmem:$0x18800] =	vst v63  }
0x84: {  	_ = 	snop  }
0x85: {  	[tilespmem:s13], [sflag:$0x5] =	stream.indirect_vreg.gather [hbm4b:s5+s3], $0x80, v3, vm0, $0xb8;
	[tilespmem:$0x18800] =	vst v63  }
0x86: {  	_ = 	snop  }
0x87: {  	[tilespmem:s14], [sflag:$0x5] =	stream.indirect_vreg.gather [hbm4b:s6+s3], $0x80, v3, vm0, $0xb8;
	[tilespmem:$0x18800] =	vst v63  }
0x88: {  	_ = 	snop  }
0x89: {  	[tilespmem:s15], [sflag:$0x5] =	stream.indirect_vreg.gather [hbm4b:s7+s3], $0x80, v3, vm0, $0xb8;
	[tilespmem:$0x18800] =	vst v63  }
0x8a: {  	_ =	swait.ge [sflag:s20], $0x4000  }
0x8b: {  	[sflag:s20] =	ssyncset.done $0x0  }
0x8c: {  	s0 =	rddreg [dreg:$0x14];
	[sflag:s20] =	ssyncadd.s32 $0xFFFFC000  }
0x8d: {  	[hbm4b:s0+s3] =	stream.linear.scatter [tilespmem:s18], [sflag:$0x7], $0x4000, $0x38;
	[tilespmem:$0x18800] =	vst v63  }
0x8e: {  	v3 =	vld [tilespmem:$0x280];
	_ =	sdelay $0x4  }
0x8f: {  	v53 =	vshll.u32 v3, $0x3  }
0x90: {  	v3 =	vand.u32 $0x7, v3;
	v4 =	vand.u32 $0xFFFFFFC0, v53  }
0x91: {  	v3 =	vor.u32 v3, v4  }
0x92: {  	v4 =	vperm.xlane v3, v0;
	_ =	sdelay $0x1  }
0x93: {  	v4 =	vadd.s32 v1, v4;
	_ =	sdelay $0x4  }
0x94: {  	[tilespmem:s19], [sflag:$0x6] =	stream.indirect_vreg.gather [hbm4b:s1+s3], $0x80, v4, vm0, $0xb8;
	[tilespmem:$0x18800] =	vst v63  }
0x95: {  	s11 =	simm.s32 $0x15000;
	v3 =	vperm.xlane v3, v2  }
0x96: {  	[tilespmem:s11], [sflag:$0x6] =	stream.indirect_vreg.gather [hbm4b:s5+s3], $0x80, v4, vm0, $0xb8;
	[tilespmem:$0x18800] =	vst v63  }
0x97: {  	v3 =	vadd.s32 v1, v3;
	s11 =	simm.s32 $0x15800  }
0x98: {  	[tilespmem:s11], [sflag:$0x6] =	stream.indirect_vreg.gather [hbm4b:s6+s3], $0x80, v4, vm0, $0xb8;
	[tilespmem:$0x18800] =	vst v63  }
0x99: {  	s11 =	simm.s32 $0x16000  }
0x9a: {  	[tilespmem:s11], [sflag:$0x6] =	stream.indirect_vreg.gather [hbm4b:s7+s3], $0x80, v4, vm0, $0xb8;
	[tilespmem:$0x18800] =	vst v63  }
0x9b: {  	s11 =	simm.s32 $0x16800  }
0x9c: {  	[tilespmem:s11], [sflag:$0x6] =	stream.indirect_vreg.gather [hbm4b:s1+s3], $0x80, v3, vm0, $0xb8;
	[tilespmem:$0x18800] =	vst v63  }
0x9d: {  	s11 =	simm.s32 $0x17000  }
0x9e: {  	[tilespmem:s11], [sflag:$0x6] =	stream.indirect_vreg.gather [hbm4b:s5+s3], $0x80, v3, vm0, $0xb8;
	[tilespmem:$0x18800] =	vst v63  }
0x9f: {  	s11 =	simm.s32 $0x17800  }
0xa0: {  	[tilespmem:s11], [sflag:$0x6] =	stream.indirect_vreg.gather [hbm4b:s6+s3], $0x80, v3, vm0, $0xb8;
	[tilespmem:$0x18800] =	vst v63  }
0xa1: {  	s11 =	simm.s32 $0x18000  }
0xa2: {  	[tilespmem:s11], [sflag:$0x6] =	stream.indirect_vreg.gather [hbm4b:s7+s3], $0x80, v3, vm0, $0xb8;
	[tilespmem:$0x18800] =	vst v63  }
0xa3: {  	_ =	swait.ge [sflag:s22], $0x4000  }
0xa4: {  	[sflag:s22] =	ssyncset.done $0x0  }
0xa5: {  	s0 =	rddreg [dreg:$0x5];
	[sflag:s22] =	ssyncadd.s32 $0xFFFFC000  }
0xa6: {  	[hbm4b:s0+s3] =	stream.linear.scatter [tilespmem:s26], [sflag:$0x8], $0x4000, $0x38;
	[tilespmem:$0x18800] =	vst v63  }
0xa7: {  	_ =	swait.ge [sflag:s23], $0x4000  }
0xa8: {  	[sflag:s23] =	ssyncset.done $0x0  }
0xa9: {  	[sflag:s23] =	ssyncadd.s32 $0xFFFFC000  }
0xaa: {  	v3 =	vld [tilespmem:$0x300];
	_ =	sdelay $0x4  }
0xab: {  	v54 =	vshll.u32 v3, $0x3  }
0xac: {  	v3 =	vand.u32 $0x7, v3;
	v4 =	vand.u32 $0xFFFFFFC0, v54  }
0xad: {  	v3 =	vor.u32 v3, v4  }
0xae: {  	v4 =	vperm.xlane v3, v0;
	_ =	sdelay $0x1  }
0xaf: {  	v4 =	vadd.s32 v1, v4;
	_ =	sdelay $0x4  }
0xb0: {  	[tilespmem:s18], [sflag:$0x1] =	stream.indirect_vreg.gather [hbm4b:s1+s3], $0x80, v4, vm0, $0xb8;
	[tilespmem:$0x18800] =	vst v63  }
0xb1: {  	s2 =	simm.s32 $0x1000;
	v3 =	vperm.xlane v3, v2  }
0xb2: {  	[tilespmem:s2], [sflag:$0x1] =	stream.indirect_vreg.gather [hbm4b:s5+s3], $0x80, v4, vm0, $0xb8;
	[tilespmem:$0x18800] =	vst v63  }
0xb3: {  	v3 =	vadd.s32 v1, v3;
	s2 =	simm.s32 $0x1800  }
0xb4: {  	[tilespmem:s2], [sflag:$0x1] =	stream.indirect_vreg.gather [hbm4b:s6+s3], $0x80, v4, vm0, $0xb8;
	[tilespmem:$0x18800] =	vst v63  }
0xb5: {  	s11 =	simm.s32 $0x2000  }
0xb6: {  	[tilespmem:s11], [sflag:$0x1] =	stream.indirect_vreg.gather [hbm4b:s7+s3], $0x80, v4, vm0, $0xb8;
	[tilespmem:$0x18800] =	vst v63  }
0xb7: {  	s2 =	simm.s32 $0x2800  }
0xb8: {  	[tilespmem:s2], [sflag:$0x1] =	stream.indirect_vreg.gather [hbm4b:s1+s3], $0x80, v3, vm0, $0xb8;
	[tilespmem:$0x18800] =	vst v63  }
0xb9: {  	s11 =	simm.s32 $0x3000  }
0xba: {  	[tilespmem:s11], [sflag:$0x1] =	stream.indirect_vreg.gather [hbm4b:s5+s3], $0x80, v3, vm0, $0xb8;
	[tilespmem:$0x18800] =	vst v63  }
0xbb: {  	s2 =	simm.s32 $0x3800  }
0xbc: {  	[tilespmem:s2], [sflag:$0x1] =	stream.indirect_vreg.gather [hbm4b:s6+s3], $0x80, v3, vm0, $0xb8;
	[tilespmem:$0x18800] =	vst v63  }
0xbd: {  	s4 =	simm.s32 $0x4000  }
0xbe: {  	[tilespmem:s4], [sflag:$0x1] =	stream.indirect_vreg.gather [hbm4b:s7+s3], $0x80, v3, vm0, $0xb8;
	[tilespmem:$0x18800] =	vst v63  }
0xbf: {  	_ =	swait.ge [sflag:s24], $0x4000  }
0xc0: {  	[sflag:s24] =	ssyncset.done $0x0  }
0xc1: {  	s4 =	rddreg [dreg:$0x6];
	[sflag:s24] =	ssyncadd.s32 $0xFFFFC000  }
0xc2: {  	[hbm4b:s4+s3] =	stream.linear.scatter [tilespmem:s30], [sflag:$0x9], $0x4000, $0x38;
	[tilespmem:$0x18800] =	vst v63  }
0xc3: {  	_ =	swait.ge [sflag:s25], $0x4000  }
0xc4: {  	[sflag:s25] =	ssyncset.done $0x0  }
0xc5: {  	[sflag:s25] =	ssyncadd.s32 $0xFFFFC000  }
0xc6: {  	v3 =	vld [tilespmem:$0x380];
	_ =	sdelay $0x4  }
0xc7: {  	v55 =	vshll.u32 v3, $0x3  }
0xc8: {  	v3 =	vand.u32 $0x7, v3;
	v4 =	vand.u32 $0xFFFFFFC0, v55  }
0xc9: {  	v3 =	vor.u32 v3, v4  }
0xca: {  	v4 =	vperm.xlane v3, v0;
	_ =	sdelay $0x1  }
0xcb: {  	v4 =	vadd.s32 v1, v4;
	_ =	sdelay $0x4  }
0xcc: {  	[tilespmem:s26], [sflag:$0x2] =	stream.indirect_vreg.gather [hbm4b:s1+s3], $0x80, v4, vm0, $0xb8;
	[tilespmem:$0x18800] =	vst v63  }
0xcd: {  	s11 =	simm.s32 $0x5000;
	v3 =	vperm.xlane v3, v2  }
0xce: {  	[tilespmem:s11], [sflag:$0x2] =	stream.indirect_vreg.gather [hbm4b:s5+s3], $0x80, v4, vm0, $0xb8;
	[tilespmem:$0x18800] =	vst v63  }
0xcf: {  	s2 =	simm.s32 $0x5800;
	v3 =	vadd.s32 v1, v3  }
0xd0: {  	[tilespmem:s2], [sflag:$0x2] =	stream.indirect_vreg.gather [hbm4b:s6+s3], $0x80, v4, vm0, $0xb8;
	[tilespmem:$0x18800] =	vst v63  }
0xd1: {  	s4 =	simm.s32 $0x6000  }
0xd2: {  	[tilespmem:s4], [sflag:$0x2] =	stream.indirect_vreg.gather [hbm4b:s7+s3], $0x80, v4, vm0, $0xb8;
	[tilespmem:$0x18800] =	vst v63  }
0xd3: {  	s11 =	simm.s32 $0x6800  }
0xd4: {  	[tilespmem:s11], [sflag:$0x2] =	stream.indirect_vreg.gather [hbm4b:s1+s3], $0x80, v3, vm0, $0xb8;
	[tilespmem:$0x18800] =	vst v63  }
0xd5: {  	s2 =	simm.s32 $0x7000  }
0xd6: {  	[tilespmem:s2], [sflag:$0x2] =	stream.indirect_vreg.gather [hbm4b:s5+s3], $0x80, v3, vm0, $0xb8;
	[tilespmem:$0x18800] =	vst v63  }
0xd7: {  	s4 =	simm.s32 $0x7800  }
0xd8: {  	[tilespmem:s4], [sflag:$0x2] =	stream.indirect_vreg.gather [hbm4b:s6+s3], $0x80, v3, vm0, $0xb8;
	[tilespmem:$0x18800] =	vst v63  }
0xd9: {  	s11 =	simm.s32 $0x8000  }
0xda: {  	[tilespmem:s11], [sflag:$0x2] =	stream.indirect_vreg.gather [hbm4b:s7+s3], $0x80, v3, vm0, $0xb8;
	[tilespmem:$0x18800] =	vst v63  }
0xdb: {  	_ =	swait.ge [sflag:s28], $0x4000  }
0xdc: {  	[sflag:s28] =	ssyncset.done $0x0  }
0xdd: {  	s0 =	rddreg [dreg:$0x7];
	[sflag:s28] =	ssyncadd.s32 $0xFFFFC000  }
0xde: {  	[hbm4b:s0+s3] =	stream.linear.scatter [tilespmem:s9], [sflag:$0xA], $0x4000, $0x38;
	[tilespmem:$0x18800] =	vst v63  }
0xdf: {  	_ =	swait.ge [sflag:s29], $0x4000  }
0xe0: {  	[sflag:s29] =	ssyncset.done $0x0  }
0xe1: {  	[sflag:s29] =	ssyncadd.s32 $0xFFFFC000  }
0xe2: {  	v3 =	vld [tilespmem:$0x400];
	_ =	sdelay $0x4  }
0xe3: {  	v56 =	vshll.u32 v3, $0x3  }
0xe4: {  	v3 =	vand.u32 $0x7, v3;
	v4 =	vand.u32 $0xFFFFFFC0, v56  }
0xe5: {  	v3 =	vor.u32 v3, v4  }
0xe6: {  	v4 =	vperm.xlane v3, v0;
	_ =	sdelay $0x1  }
0xe7: {  	v4 =	vadd.s32 v1, v4;
	_ =	sdelay $0x4  }
0xe8: {  	[tilespmem:s30], [sflag:$0x3] =	stream.indirect_vreg.gather [hbm4b:s1+s3], $0x80, v4, vm0, $0xb8;
	[tilespmem:$0x18800] =	vst v63  }
0xe9: {  	s2 =	simm.s32 $0x9000;
	v3 =	vperm.xlane v3, v2  }
0xea: {  	[tilespmem:s2], [sflag:$0x3] =	stream.indirect_vreg.gather [hbm4b:s5+s3], $0x80, v4, vm0, $0xb8;
	[tilespmem:$0x18800] =	vst v63  }
0xeb: {  	s4 =	simm.s32 $0x9800;
	v3 =	vadd.s32 v1, v3  }
0xec: {  	[tilespmem:s4], [sflag:$0x3] =	stream.indirect_vreg.gather [hbm4b:s6+s3], $0x80, v4, vm0, $0xb8;
	[tilespmem:$0x18800] =	vst v63  }
0xed: {  	s11 =	simm.s32 $0xA000  }
0xee: {  	[tilespmem:s11], [sflag:$0x3] =	stream.indirect_vreg.gather [hbm4b:s7+s3], $0x80, v4, vm0, $0xb8;
	[tilespmem:$0x18800] =	vst v63  }
0xef: {  	s2 =	simm.s32 $0xA800  }
0xf0: {  	[tilespmem:s2], [sflag:$0x3] =	stream.indirect_vreg.gather [hbm4b:s1+s3], $0x80, v3, vm0, $0xb8;
	[tilespmem:$0x18800] =	vst v63  }
0xf1: {  	s4 =	simm.s32 $0xB000  }
0xf2: {  	[tilespmem:s4], [sflag:$0x3] =	stream.indirect_vreg.gather [hbm4b:s5+s3], $0x80, v3, vm0, $0xb8;
	[tilespmem:$0x18800] =	vst v63  }
0xf3: {  	s11 =	simm.s32 $0xB800  }
0xf4: {  	[tilespmem:s11], [sflag:$0x3] =	stream.indirect_vreg.gather [hbm4b:s6+s3], $0x80, v3, vm0, $0xb8;
	[tilespmem:$0x18800] =	vst v63  }
0xf5: {  	s0 =	simm.s32 $0x5;
	s2 =	simm.s32 $0xC000  }
0xf6: {  	[tilespmem:s2], [sflag:$0x3] =	stream.indirect_vreg.gather [hbm4b:s7+s3], $0x80, v3, vm0, $0xb8;
	[tilespmem:$0x18800] =	vst v63  }
0xf7: {  	_ =	swait.ge [sflag:s0], $0x4000  }
0xf8: {  	[sflag:s0] =	ssyncset.done $0x0  }
0xf9: {  	s4 =	rddreg [dreg:$0x8];
	[sflag:s0] =	ssyncadd.s32 $0xFFFFC000  }
0xfa: {  	[hbm4b:s4+s3] =	stream.linear.scatter [tilespmem:s10], [sflag:$0xB], $0x4000, $0x38;
	[tilespmem:$0x18800] =	vst v63  }
0xfb: {  	_ =	swait.ge [sflag:s31], $0x4000  }
0xfc: {  	[sflag:s31] =	ssyncset.done $0x0  }
0xfd: {  	[sflag:s31] =	ssyncadd.s32 $0xFFFFC000  }
0xfe: {  	v3 =	vld [tilespmem:$0x480];
	_ =	sdelay $0x4  }
0xff: {  	v57 =	vshll.u32 v3, $0x3  }
0x100: {  	v3 =	vand.u32 $0x7, v3;
	v4 =	vand.u32 $0xFFFFFFC0, v57  }
0x101: {  	v3 =	vor.u32 v3, v4  }
0x102: {  	v4 =	vperm.xlane v3, v0;
	_ =	sdelay $0x1  }
0x103: {  	v4 =	vadd.s32 v1, v4;
	_ =	sdelay $0x4  }
0x104: {  	[tilespmem:s9], [sflag:$0x4] =	stream.indirect_vreg.gather [hbm4b:s1+s3], $0x80, v4, vm0, $0xb8;
	[tilespmem:$0x18800] =	vst v63  }
0x105: {  	s11 =	simm.s32 $0xD000;
	v3 =	vperm.xlane v3, v2  }
0x106: {  	[tilespmem:s11], [sflag:$0x4] =	stream.indirect_vreg.gather [hbm4b:s5+s3], $0x80, v4, vm0, $0xb8;
	[tilespmem:$0x18800] =	vst v63  }
0x107: {  	s4 =	simm.s32 $0xD800;
	v3 =	vadd.s32 v1, v3  }
0x108: {  	[tilespmem:s4], [sflag:$0x4] =	stream.indirect_vreg.gather [hbm4b:s6+s3], $0x80, v4, vm0, $0xb8;
	[tilespmem:$0x18800] =	vst v63  }
0x109: {  	s11 =	simm.s32 $0xE000  }
0x10a: {  	[tilespmem:s11], [sflag:$0x4] =	stream.indirect_vreg.gather [hbm4b:s7+s3], $0x80, v4, vm0, $0xb8;
	[tilespmem:$0x18800] =	vst v63  }
0x10b: {  	s4 =	simm.s32 $0xE800  }
0x10c: {  	[tilespmem:s4], [sflag:$0x4] =	stream.indirect_vreg.gather [hbm4b:s1+s3], $0x80, v3, vm0, $0xb8;
	[tilespmem:$0x18800] =	vst v63  }
0x10d: {  	s11 =	simm.s32 $0xF000  }
0x10e: {  	[tilespmem:s11], [sflag:$0x4] =	stream.indirect_vreg.gather [hbm4b:s5+s3], $0x80, v3, vm0, $0xb8;
	[tilespmem:$0x18800] =	vst v63  }
0x10f: {  	s4 =	simm.s32 $0xF800  }
0x110: {  	[tilespmem:s4], [sflag:$0x4] =	stream.indirect_vreg.gather [hbm4b:s6+s3], $0x80, v3, vm0, $0xb8;
	[tilespmem:$0x18800] =	vst v63  }
0x111: {  	s2 =	simm.s32 $0x6;
	s11 =	simm.s32 $0x10000  }
0x112: {  	[tilespmem:s11], [sflag:$0x4] =	stream.indirect_vreg.gather [hbm4b:s7+s3], $0x80, v3, vm0, $0xb8;
	[tilespmem:$0x18800] =	vst v63  }
0x113: {  	_ =	swait.ge [sflag:s2], $0x4000  }
0x114: {  	[sflag:s2] =	ssyncset.done $0x0  }
0x115: {  	s4 =	rddreg [dreg:$0x9];
	[sflag:s2] =	ssyncadd.s32 $0xFFFFC000  }
0x116: {  	[hbm4b:s4+s3] =	stream.linear.scatter [tilespmem:s19], [sflag:$0xC], $0x4000, $0x38;
	[tilespmem:$0x18800] =	vst v63  }
0x117: {  	s4 =	simm.s32 $0xB  }
0x118: {  	_ =	swait.ge [sflag:s4], $0x4000  }
0x119: {  	[sflag:s4] =	ssyncset.done $0x0  }
0x11a: {  	[sflag:s4] =	ssyncadd.s32 $0xFFFFC000  }
0x11b: {  	v3 =	vld [tilespmem:$0x500];
	_ =	sdelay $0x4  }
0x11c: {  	v58 =	vshll.u32 v3, $0x3  }
0x11d: {  	v3 =	vand.u32 $0x7, v3;
	v4 =	vand.u32 $0xFFFFFFC0, v58  }
0x11e: {  	v3 =	vor.u32 v3, v4  }
0x11f: {  	v4 =	vperm.xlane v3, v0;
	_ =	sdelay $0x1  }
0x120: {  	v4 =	vadd.s32 v1, v4;
	_ =	sdelay $0x4  }
0x121: {  	[tilespmem:s10], [sflag:$0x5] =	stream.indirect_vreg.gather [hbm4b:s1+s3], $0x80, v4, vm0, $0xb8;
	[tilespmem:$0x18800] =	vst v63  }
0x122: {  	v3 =	vperm.xlane v3, v2  }
0x123: {  	[tilespmem:s21], [sflag:$0x5] =	stream.indirect_vreg.gather [hbm4b:s5+s3], $0x80, v4, vm0, $0xb8;
	[tilespmem:$0x18800] =	vst v63  }
0x124: {  	v3 =	vadd.s32 v1, v3  }
0x125: {  	[tilespmem:s16], [sflag:$0x5] =	stream.indirect_vreg.gather [hbm4b:s6+s3], $0x80, v4, vm0, $0xb8;
	[tilespmem:$0x18800] =	vst v63  }
0x126: {  	_ = 	snop  }
0x127: {  	[tilespmem:s17], [sflag:$0x5] =	stream.indirect_vreg.gather [hbm4b:s7+s3], $0x80, v4, vm0, $0xb8;
	[tilespmem:$0x18800] =	vst v63  }
0x128: {  	_ = 	snop  }
0x129: {  	[tilespmem:s12], [sflag:$0x5] =	stream.indirect_vreg.gather [hbm4b:s1+s3], $0x80, v3, vm0, $0xb8;
	[tilespmem:$0x18800] =	vst v63  }
0x12a: {  	_ = 	snop  }
0x12b: {  	[tilespmem:s13], [sflag:$0x5] =	stream.indirect_vreg.gather [hbm4b:s5+s3], $0x80, v3, vm0, $0xb8;
	[tilespmem:$0x18800] =	vst v63  }
0x12c: {  	_ = 	snop  }
0x12d: {  	[tilespmem:s14], [sflag:$0x5] =	stream.indirect_vreg.gather [hbm4b:s6+s3], $0x80, v3, vm0, $0xb8;
	[tilespmem:$0x18800] =	vst v63  }
0x12e: {  	_ = 	snop  }
0x12f: {  	[tilespmem:s15], [sflag:$0x5] =	stream.indirect_vreg.gather [hbm4b:s7+s3], $0x80, v3, vm0, $0xb8;
	[tilespmem:$0x18800] =	vst v63  }
0x130: {  	_ =	swait.ge [sflag:s20], $0x4000  }
0x131: {  	[sflag:s20] =	ssyncset.done $0x0  }
0x132: {  	s12 =	rddreg [dreg:$0xa];
	[sflag:s20] =	ssyncadd.s32 $0xFFFFC000  }
0x133: {  	[hbm4b:s12+s3] =	stream.linear.scatter [tilespmem:s18], [sflag:$0x7], $0x4000, $0x38;
	[tilespmem:$0x18800] =	vst v63  }
0x134: {  	s12 =	simm.s32 $0xC  }
0x135: {  	_ =	swait.ge [sflag:s12], $0x4000  }
0x136: {  	[sflag:s12] =	ssyncset.done $0x0  }
0x137: {  	[sflag:s12] =	ssyncadd.s32 $0xFFFFC000  }
0x138: {  	v3 =	vld [tilespmem:$0x580];
	_ =	sdelay $0x4  }
0x139: {  	v59 =	vshll.u32 v3, $0x3  }
0x13a: {  	v3 =	vand.u32 $0x7, v3;
	v4 =	vand.u32 $0xFFFFFFC0, v59  }
0x13b: {  	v3 =	vor.u32 v3, v4  }
0x13c: {  	v4 =	vperm.xlane v3, v0;
	_ =	sdelay $0x1  }
0x13d: {  	v4 =	vadd.s32 v1, v4;
	_ =	sdelay $0x4  }
0x13e: {  	[tilespmem:s19], [sflag:$0x6] =	stream.indirect_vreg.gather [hbm4b:s1+s3], $0x80, v4, vm0, $0xb8;
	[tilespmem:$0x18800] =	vst v63  }
0x13f: {  	s11 =	simm.s32 $0x15000;
	v3 =	vperm.xlane v3, v2  }
0x140: {  	[tilespmem:s11], [sflag:$0x6] =	stream.indirect_vreg.gather [hbm4b:s5+s3], $0x80, v4, vm0, $0xb8;
	[tilespmem:$0x18800] =	vst v63  }
0x141: {  	v3 =	vadd.s32 v1, v3;
	s11 =	simm.s32 $0x15800  }
0x142: {  	[tilespmem:s11], [sflag:$0x6] =	stream.indirect_vreg.gather [hbm4b:s6+s3], $0x80, v4, vm0, $0xb8;
	[tilespmem:$0x18800] =	vst v63  }
0x143: {  	s11 =	simm.s32 $0x16000  }
0x144: {  	[tilespmem:s11], [sflag:$0x6] =	stream.indirect_vreg.gather [hbm4b:s7+s3], $0x80, v4, vm0, $0xb8;
	[tilespmem:$0x18800] =	vst v63  }
0x145: {  	s11 =	simm.s32 $0x16800  }
0x146: {  	[tilespmem:s11], [sflag:$0x6] =	stream.indirect_vreg.gather [hbm4b:s1+s3], $0x80, v3, vm0, $0xb8;
	[tilespmem:$0x18800] =	vst v63  }
0x147: {  	s11 =	simm.s32 $0x17000  }
0x148: {  	[tilespmem:s11], [sflag:$0x6] =	stream.indirect_vreg.gather [hbm4b:s5+s3], $0x80, v3, vm0, $0xb8;
	[tilespmem:$0x18800] =	vst v63  }
0x149: {  	s11 =	simm.s32 $0x17800  }
0x14a: {  	[tilespmem:s11], [sflag:$0x6] =	stream.indirect_vreg.gather [hbm4b:s6+s3], $0x80, v3, vm0, $0xb8;
	[tilespmem:$0x18800] =	vst v63  }
0x14b: {  	s11 =	simm.s32 $0x18000  }
0x14c: {  	[tilespmem:s11], [sflag:$0x6] =	stream.indirect_vreg.gather [hbm4b:s7+s3], $0x80, v3, vm0, $0xb8;
	[tilespmem:$0x18800] =	vst v63  }
0x14d: {  	_ =	swait.ge [sflag:s22], $0x4000  }
0x14e: {  	[sflag:s22] =	ssyncset.done $0x0  }
0x14f: {  	s11 =	rddreg [dreg:$0xb];
	[sflag:s22] =	ssyncadd.s32 $0xFFFFC000  }
0x150: {  	[hbm4b:s11+s3] =	stream.linear.scatter [tilespmem:s26], [sflag:$0x8], $0x4000, $0x38;
	[tilespmem:$0x18800] =	vst v63  }
0x151: {  	_ =	swait.ge [sflag:s23], $0x4000  }
0x152: {  	[sflag:s23] =	ssyncset.done $0x0  }
0x153: {  	[sflag:s23] =	ssyncadd.s32 $0xFFFFC000  }
0x154: {  	v3 =	vld [tilespmem:$0x600];
	_ =	sdelay $0x4  }
0x155: {  	v60 =	vshll.u32 v3, $0x3  }
0x156: {  	v3 =	vand.u32 $0x7, v3;
	v4 =	vand.u32 $0xFFFFFFC0, v60  }
0x157: {  	v3 =	vor.u32 v3, v4  }
0x158: {  	v4 =	vperm.xlane v3, v0;
	_ =	sdelay $0x1  }
0x159: {  	v4 =	vadd.s32 v1, v4;
	_ =	sdelay $0x4  }
0x15a: {  	[tilespmem:s18], [sflag:$0x1] =	stream.indirect_vreg.gather [hbm4b:s1+s3], $0x80, v4, vm0, $0xb8;
	[tilespmem:$0x18800] =	vst v63  }
0x15b: {  	s11 =	simm.s32 $0x1000;
	v3 =	vperm.xlane v3, v2  }
0x15c: {  	[tilespmem:s11], [sflag:$0x1] =	stream.indirect_vreg.gather [hbm4b:s5+s3], $0x80, v4, vm0, $0xb8;
	[tilespmem:$0x18800] =	vst v63  }
0x15d: {  	v3 =	vadd.s32 v1, v3;
	s11 =	simm.s32 $0x1800  }
0x15e: {  	[tilespmem:s11], [sflag:$0x1] =	stream.indirect_vreg.gather [hbm4b:s6+s3], $0x80, v4, vm0, $0xb8;
	[tilespmem:$0x18800] =	vst v63  }
0x15f: {  	s11 =	simm.s32 $0x2000  }
0x160: {  	[tilespmem:s11], [sflag:$0x1] =	stream.indirect_vreg.gather [hbm4b:s7+s3], $0x80, v4, vm0, $0xb8;
	[tilespmem:$0x18800] =	vst v63  }
0x161: {  	s11 =	simm.s32 $0x2800  }
0x162: {  	[tilespmem:s11], [sflag:$0x1] =	stream.indirect_vreg.gather [hbm4b:s1+s3], $0x80, v3, vm0, $0xb8;
	[tilespmem:$0x18800] =	vst v63  }
0x163: {  	s11 =	simm.s32 $0x3000  }
0x164: {  	[tilespmem:s11], [sflag:$0x1] =	stream.indirect_vreg.gather [hbm4b:s5+s3], $0x80, v3, vm0, $0xb8;
	[tilespmem:$0x18800] =	vst v63  }
0x165: {  	s11 =	simm.s32 $0x3800  }
0x166: {  	[tilespmem:s11], [sflag:$0x1] =	stream.indirect_vreg.gather [hbm4b:s6+s3], $0x80, v3, vm0, $0xb8;
	[tilespmem:$0x18800] =	vst v63  }
0x167: {  	s11 =	simm.s32 $0x4000  }
0x168: {  	[tilespmem:s11], [sflag:$0x1] =	stream.indirect_vreg.gather [hbm4b:s7+s3], $0x80, v3, vm0, $0xb8;
	[tilespmem:$0x18800] =	vst v63  }
0x169: {  	_ =	swait.ge [sflag:s24], $0x4000  }
0x16a: {  	[sflag:s24] =	ssyncset.done $0x0  }
0x16b: {  	s11 =	rddreg [dreg:$0xc];
	[sflag:s24] =	ssyncadd.s32 $0xFFFFC000  }
0x16c: {  	[hbm4b:s11+s3] =	stream.linear.scatter [tilespmem:s30], [sflag:$0x9], $0x4000, $0x38;
	[tilespmem:$0x18800] =	vst v63  }
0x16d: {  	_ =	swait.ge [sflag:s25], $0x4000  }
0x16e: {  	[sflag:s25] =	ssyncset.done $0x0  }
0x16f: {  	[sflag:s25] =	ssyncadd.s32 $0xFFFFC000  }
0x170: {  	v3 =	vld [tilespmem:$0x680];
	_ =	sdelay $0x4  }
0x171: {  	v61 =	vshll.u32 v3, $0x3  }
0x172: {  	v3 =	vand.u32 $0x7, v3;
	v4 =	vand.u32 $0xFFFFFFC0, v61  }
0x173: {  	v3 =	vor.u32 v3, v4  }
0x174: {  	v4 =	vperm.xlane v3, v0;
	_ =	sdelay $0x1  }
0x175: {  	v4 =	vadd.s32 v1, v4;
	_ =	sdelay $0x4  }
0x176: {  	[tilespmem:s26], [sflag:$0x2] =	stream.indirect_vreg.gather [hbm4b:s1+s3], $0x80, v4, vm0, $0xb8;
	[tilespmem:$0x18800] =	vst v63  }
0x177: {  	s11 =	simm.s32 $0x5000;
	v3 =	vperm.xlane v3, v2  }
0x178: {  	[tilespmem:s11], [sflag:$0x2] =	stream.indirect_vreg.gather [hbm4b:s5+s3], $0x80, v4, vm0, $0xb8;
	[tilespmem:$0x18800] =	vst v63  }
0x179: {  	v3 =	vadd.s32 v1, v3;
	s11 =	simm.s32 $0x5800  }
0x17a: {  	[tilespmem:s11], [sflag:$0x2] =	stream.indirect_vreg.gather [hbm4b:s6+s3], $0x80, v4, vm0, $0xb8;
	[tilespmem:$0x18800] =	vst v63  }
0x17b: {  	s11 =	simm.s32 $0x6000  }
0x17c: {  	[tilespmem:s11], [sflag:$0x2] =	stream.indirect_vreg.gather [hbm4b:s7+s3], $0x80, v4, vm0, $0xb8;
	[tilespmem:$0x18800] =	vst v63  }
0x17d: {  	s11 =	simm.s32 $0x6800  }
0x17e: {  	[tilespmem:s11], [sflag:$0x2] =	stream.indirect_vreg.gather [hbm4b:s1+s3], $0x80, v3, vm0, $0xb8;
	[tilespmem:$0x18800] =	vst v63  }
0x17f: {  	s11 =	simm.s32 $0x7000  }
0x180: {  	[tilespmem:s11], [sflag:$0x2] =	stream.indirect_vreg.gather [hbm4b:s5+s3], $0x80, v3, vm0, $0xb8;
	[tilespmem:$0x18800] =	vst v63  }
0x181: {  	s11 =	simm.s32 $0x7800  }
0x182: {  	[tilespmem:s11], [sflag:$0x2] =	stream.indirect_vreg.gather [hbm4b:s6+s3], $0x80, v3, vm0, $0xb8;
	[tilespmem:$0x18800] =	vst v63  }
0x183: {  	s11 =	simm.s32 $0x8000  }
0x184: {  	[tilespmem:s11], [sflag:$0x2] =	stream.indirect_vreg.gather [hbm4b:s7+s3], $0x80, v3, vm0, $0xb8;
	[tilespmem:$0x18800] =	vst v63  }
0x185: {  	_ =	swait.ge [sflag:s28], $0x4000  }
0x186: {  	[sflag:s28] =	ssyncset.done $0x0  }
0x187: {  	s11 =	rddreg [dreg:$0xd];
	[sflag:s28] =	ssyncadd.s32 $0xFFFFC000  }
0x188: {  	[hbm4b:s11+s3] =	stream.linear.scatter [tilespmem:s9], [sflag:$0xA], $0x4000, $0x38;
	[tilespmem:$0x18800] =	vst v63  }
0x189: {  	_ =	swait.ge [sflag:s29], $0x4000  }
0x18a: {  	[sflag:s29] =	ssyncset.done $0x0  }
0x18b: {  	[sflag:s29] =	ssyncadd.s32 $0xFFFFC000  }
0x18c: {  	v3 =	vld [tilespmem:$0x700];
	_ =	sdelay $0x4  }
0x18d: {  	v62 =	vshll.u32 v3, $0x3  }
0x18e: {  	v3 =	vand.u32 $0x7, v3;
	v4 =	vand.u32 $0xFFFFFFC0, v62  }
0x18f: {  	v3 =	vor.u32 v3, v4  }
0x190: {  	v4 =	vperm.xlane v3, v0;
	_ =	sdelay $0x1  }
0x191: {  	v4 =	vadd.s32 v1, v4;
	_ =	sdelay $0x4  }
0x192: {  	[tilespmem:s30], [sflag:$0x3] =	stream.indirect_vreg.gather [hbm4b:s1+s3], $0x80, v4, vm0, $0xb8;
	[tilespmem:$0x18800] =	vst v63  }
0x193: {  	s11 =	simm.s32 $0x9000;
	v3 =	vperm.xlane v3, v2  }
0x194: {  	[tilespmem:s11], [sflag:$0x3] =	stream.indirect_vreg.gather [hbm4b:s5+s3], $0x80, v4, vm0, $0xb8;
	[tilespmem:$0x18800] =	vst v63  }
0x195: {  	v3 =	vadd.s32 v1, v3;
	s11 =	simm.s32 $0x9800  }
0x196: {  	[tilespmem:s11], [sflag:$0x3] =	stream.indirect_vreg.gather [hbm4b:s6+s3], $0x80, v4, vm0, $0xb8;
	[tilespmem:$0x18800] =	vst v63  }
0x197: {  	s11 =	simm.s32 $0xA000  }
0x198: {  	[tilespmem:s11], [sflag:$0x3] =	stream.indirect_vreg.gather [hbm4b:s7+s3], $0x80, v4, vm0, $0xb8;
	[tilespmem:$0x18800] =	vst v63  }
0x199: {  	s11 =	simm.s32 $0xA800  }
0x19a: {  	[tilespmem:s11], [sflag:$0x3] =	stream.indirect_vreg.gather [hbm4b:s1+s3], $0x80, v3, vm0, $0xb8;
	[tilespmem:$0x18800] =	vst v63  }
0x19b: {  	s11 =	simm.s32 $0xB000  }
0x19c: {  	[tilespmem:s11], [sflag:$0x3] =	stream.indirect_vreg.gather [hbm4b:s5+s3], $0x80, v3, vm0, $0xb8;
	[tilespmem:$0x18800] =	vst v63  }
0x19d: {  	s11 =	simm.s32 $0xB800  }
0x19e: {  	[tilespmem:s11], [sflag:$0x3] =	stream.indirect_vreg.gather [hbm4b:s6+s3], $0x80, v3, vm0, $0xb8;
	[tilespmem:$0x18800] =	vst v63  }
0x19f: {  	s11 =	simm.s32 $0xC000  }
0x1a0: {  	[tilespmem:s11], [sflag:$0x3] =	stream.indirect_vreg.gather [hbm4b:s7+s3], $0x80, v3, vm0, $0xb8;
	[tilespmem:$0x18800] =	vst v63  }
0x1a1: {  	_ =	swait.ge [sflag:s0], $0x4000  }
0x1a2: {  	[sflag:s0] =	ssyncset.done $0x0  }
0x1a3: {  	s11 =	rddreg [dreg:$0xe];
	[sflag:s0] =	ssyncadd.s32 $0xFFFFC000  }
0x1a4: {  	[hbm4b:s11+s3] =	stream.linear.scatter [tilespmem:s10], [sflag:$0xB], $0x4000, $0x38;
	[tilespmem:$0x18800] =	vst v63  }
0x1a5: {  	_ =	swait.ge [sflag:s31], $0x4000  }
0x1a6: {  	[sflag:s31] =	ssyncset.done $0x0  }
0x1a7: {  	[sflag:s31] =	ssyncadd.s32 $0xFFFFC000  }
0x1a8: {  	v3 =	vld [tilespmem:$0x780];
	_ =	sdelay $0x4  }
0x1a9: {  	v63 =	vshll.u32 v3, $0x3  }
0x1aa: {  	v3 =	vand.u32 $0x7, v3;
	v4 =	vand.u32 $0xFFFFFFC0, v63  }
0x1ab: {  	v3 =	vor.u32 v3, v4  }
0x1ac: {  	v4 =	vperm.xlane v3, v0;
	_ =	sdelay $0x1  }
0x1ad: {  	v4 =	vadd.s32 v1, v4;
	_ =	sdelay $0x4  }
0x1ae: {  	[tilespmem:s9], [sflag:$0x4] =	stream.indirect_vreg.gather [hbm4b:s1+s3], $0x80, v4, vm0, $0xb8;
	[tilespmem:$0x18800] =	vst v63  }
0x1af: {  	s11 =	simm.s32 $0xD000;
	v3 =	vperm.xlane v3, v2  }
0x1b0: {  	[tilespmem:s11], [sflag:$0x4] =	stream.indirect_vreg.gather [hbm4b:s5+s3], $0x80, v4, vm0, $0xb8;
	[tilespmem:$0x18800] =	vst v63  }
0x1b1: {  	v3 =	vadd.s32 v1, v3;
	s11 =	simm.s32 $0xD800  }
0x1b2: {  	[tilespmem:s11], [sflag:$0x4] =	stream.indirect_vreg.gather [hbm4b:s6+s3], $0x80, v4, vm0, $0xb8;
	[tilespmem:$0x18800] =	vst v63  }
0x1b3: {  	s11 =	simm.s32 $0xE000  }
0x1b4: {  	[tilespmem:s11], [sflag:$0x4] =	stream.indirect_vreg.gather [hbm4b:s7+s3], $0x80, v4, vm0, $0xb8;
	[tilespmem:$0x18800] =	vst v63  }
0x1b5: {  	s11 =	simm.s32 $0xE800  }
0x1b6: {  	[tilespmem:s11], [sflag:$0x4] =	stream.indirect_vreg.gather [hbm4b:s1+s3], $0x80, v3, vm0, $0xb8;
	[tilespmem:$0x18800] =	vst v63  }
0x1b7: {  	s11 =	simm.s32 $0xF000  }
0x1b8: {  	[tilespmem:s11], [sflag:$0x4] =	stream.indirect_vreg.gather [hbm4b:s5+s3], $0x80, v3, vm0, $0xb8;
	[tilespmem:$0x18800] =	vst v63  }
0x1b9: {  	s11 =	simm.s32 $0xF800  }
0x1ba: {  	[tilespmem:s11], [sflag:$0x4] =	stream.indirect_vreg.gather [hbm4b:s6+s3], $0x80, v3, vm0, $0xb8;
	[tilespmem:$0x18800] =	vst v63  }
0x1bb: {  	s11 =	simm.s32 $0x10000  }
0x1bc: {  	[tilespmem:s11], [sflag:$0x4] =	stream.indirect_vreg.gather [hbm4b:s7+s3], $0x80, v3, vm0, $0xb8;
	[tilespmem:$0x18800] =	vst v63  }
0x1bd: {  	_ =	swait.ge [sflag:s2], $0x4000  }
0x1be: {  	[sflag:s2] =	ssyncset.done $0x0  }
0x1bf: {  	s0 =	rddreg [dreg:$0xf];
	[sflag:s2] =	ssyncadd.s32 $0xFFFFC000  }
0x1c0: {  	[hbm4b:s0+s3] =	stream.linear.scatter [tilespmem:s19], [sflag:$0xC], $0x4000, $0x38;
	[tilespmem:$0x18800] =	vst v63  }
0x1c1: {  	_ =	swait.ge [sflag:s20], $0x4000  }
0x1c2: {  	[sflag:s20] =	ssyncset.done $0x0  }
0x1c3: {  	s0 =	rddreg [dreg:$0x10];
	[sflag:s20] =	ssyncadd.s32 $0xFFFFC000  }
0x1c4: {  	[hbm4b:s0+s3] =	stream.linear.scatter [tilespmem:s18], [sflag:$0x7], $0x4000, $0x38;
	[tilespmem:$0x18800] =	vst v63  }
0x1c5: {  	_ =	swait.ge [sflag:s22], $0x4000  }
0x1c6: {  	[sflag:s22] =	ssyncset.done $0x0  }
0x1c7: {  	s2 =	rddreg [dreg:$0x11];
	[sflag:s22] =	ssyncadd.s32 $0xFFFFC000  }
0x1c8: {  	[hbm4b:s2+s3] =	stream.linear.scatter [tilespmem:s26], [sflag:$0x8], $0x4000, $0x38;
	[tilespmem:$0x18800] =	vst v63  }
0x1c9: {  	_ =	swait.ge [sflag:s24], $0x4000  }
0x1ca: {  	[sflag:s24] =	ssyncset.done $0x0  }
0x1cb: {  	s0 =	rddreg [dreg:$0x12];
	[sflag:s24] =	ssyncadd.s32 $0xFFFFC000  }
0x1cc: {  	[hbm4b:s0+s3] =	stream.linear.scatter [tilespmem:s30], [sflag:$0x9], $0x4000, $0x38;
	[tilespmem:$0x18800] =	vst v63  }
0x1cd: {  	_ =	swait.ge [sflag:s28], $0x4000  }
0x1ce: {  	[sflag:s28] =	ssyncset.done $0x0  }
0x1cf: {  	s2 =	rddreg [dreg:$0x13];
	[sflag:s28] =	ssyncadd.s32 $0xFFFFC000  }
0x1d0: {  	[hbm4b:s2+s3] =	stream.linear.scatter [tilespmem:s9], [sflag:$0xA], $0x4000, $0x38;
	[tilespmem:$0x18800] =	vst v63  }
0x1d1: {  	_ =	swait.ge [sflag:s4], $0x4000  }
0x1d2: {  	[sflag:s4] =	ssyncset.done $0x0  }
0x1d3: {  	[sflag:s4] =	ssyncadd.s32 $0xFFFFC000  }
0x1d4: {  	_ =	swait.ge [sflag:s12], $0x4000  }
0x1d5: {  	[sflag:s12] =	ssyncset.done $0x0  }
0x1d6: {  	[sflag:s12] =	ssyncadd.s32 $0xFFFFC000  }
0x1d7: {  	_ =	swait.ge [sflag:s23], $0x4000  }
0x1d8: {  	[sflag:s23] =	ssyncset.done $0x0  }
0x1d9: {  	[sflag:s23] =	ssyncadd.s32 $0xFFFFC000  }
0x1da: {  	_ =	swait.ge [sflag:s25], $0x4000  }
0x1db: {  	[sflag:s25] =	ssyncset.done $0x0  }
0x1dc: {  	[sflag:s25] =	ssyncadd.s32 $0xFFFFC000  }
0x1dd: {  	p0 =	sne.s32 s8, $0x1;
	_ =	swait.ge [sflag:s29], $0x4000  }
.Ltmp0:
0x1de: {  	[sflag:s29] =	ssyncset.done $0x0;
	(pc) =	sbr.rel @p0 .LBB2_1-.Ltmp0, $4  }
0x1df: {  	[sflag:s29] =	ssyncadd.s32 $0xFFFFC000  }
0x1e0: {  	_ =	swait.ge [sflag:s31], $0x4000  }
0x1e1: {  	[sflag:s31] =	ssyncset.done $0x0  }
0x1e2: {  	s8 =	sadd.s32 $0xFFFFFFFF, s8;
	[sflag:s31] =	ssyncadd.s32 $0xFFFFC000  }
0x1e3: {  	_ =	sfence.sel $0x180000  }
0x1e4: {  	[bflag:$0x0] =	sbarrier.arrive $0xFFFF  }
0x1e5: {  	_ =	strace $0x90000047  }
0x1e6: {  	s0 =	stileid.u32;
	[bflag:$0x2] =	sbarrier.arrive $0xFFFF  }
0x1e7: {  	p0 =	sne.s32 s0, $0x0;
	s0 =	rddreg [dreg:$0x3]  }
0x1e8: {  	s0 =	sadd.s32 @!p0 $0x100000, s0  }
0x1e9: {  	[sflag:s0] =	ssyncadd.tile.s32 @!p0 $0x1;
	_ =	shalt  }
.Lfunc_end2:
_tile_overlayer_lowered:
.L_overlay_start_2:
0x1ea: {  	(tag) =	ssettag $0x2  }
0x1eb: {  	s0 =	rddreg [dreg:$0x0];
	s2 =	stileid.u32  }
0x1ec: {  	s1 =	rddreg [dreg:$0x1];
	p0 =	sne.s32 s2, $0x0  }
0x1ed: {  	s3 =	rddreg [dreg:$0x2];
	[bflag:$0x3] =	sbarrier.arrive $0xFFFF;
	s2 =	simm.s32 @!p0 $0x1C0D  }
0x1ee: {  	[timem:s3], [sflag:s2] =	dma.local @!p0 [hbm:s0], s1  }
0x1ef: {  	s0 =	simm.s32 @!p0 $0xD  }
0x1f0: {  	_ =	swait.ge @!p0 [sflag:s0], s1  }
0x1f1: {  	s1 =	ssub.s32 @!p0 $0x0, s1;
	[sflag:s0] =	ssyncset.done @!p0 $0x0  }
0x1f2: {  	[sflag:s0] =	ssyncadd.s32 @!p0 s1  }
0x1f3: {  	[bflag:$0x3] =	sbarrier.arrive $0xFFFF  }
0x1f4: {  	_ =	shalt  }

</sc_bundles>
